<compile_context>
chip_gen: v7x
topology: tpu7x:2x2x1
jax: 0.10.2.dev20260603
libtpu: 0.0.44.dev20260713+nightly
codegen_flags: <defaults>
</compile_context>

<pallas_src>
import functools

import jax
import jax.numpy as jnp
from jax import lax
from jax.experimental import pallas as pl
from jax.experimental.pallas import tpu as pltpu
from jax.experimental.pallas import tpu_sc as plsc

N_NODES = 10000
N_EDGES = 320000
D = 128

NC = 2
NS = 16
NW = NC * NS
K = 80
NBUF = 2
NCHUNK0 = 152
NCHUNK1 = 100
EPW0 = NCHUNK0 * K
EPW1 = NCHUNK1 * K
EPW_MAX = EPW0
E_PAD = NS * (EPW0 + EPW1)
N_PAD = 10240
ROWS_PER_TILE = N_PAD // NS


def _sc_segment_sum(x, src1, dst1, zeros):
    mesh = plsc.VectorSubcoreMesh(core_axis_name="c", subcore_axis_name="s")

    @functools.partial(
        pl.kernel,
        out_type=jax.ShapeDtypeStruct((NC, N_PAD, D), jnp.float32),
        mesh=mesh,
        scratch_types=[
            [pltpu.VMEM((K,), jnp.int32) for _ in range(NBUF)],
            [pltpu.VMEM((K,), jnp.int32) for _ in range(NBUF)],
            [pltpu.VMEM((K, D), jnp.float32) for _ in range(NBUF)],
            pltpu.VMEM_SHARED((N_PAD, D), jnp.float32),
            pltpu.VMEM_SHARED((NS * 2 * EPW_MAX,), jnp.int32),
            pltpu.VMEM((EPW_MAX // 4,), jnp.int32),
            [pltpu.SemaphoreType.DMA for _ in range(NBUF)],
            [pltpu.SemaphoreType.DMA for _ in range(NBUF)],
        ],
    )
    def seg_sum(x_hbm, src_hbm, dst_hbm, zeros_hbm, out_hbm,
                src_v, dst_v, rows, acc, sidx, vtmp, sem_g, sem_s):
        cid = lax.axis_index("c")
        sid = lax.axis_index("s")

        zbase = sid * ROWS_PER_TILE
        pltpu.sync_copy(zeros_hbm, acc.at[pl.ds(zbase, ROWS_PER_TILE)])
        epw = jnp.where(cid == 0, EPW0, EPW1)
        nchunk = jnp.where(cid == 0, NCHUNK0, NCHUNK1)
        ebase = jnp.where(cid == 0, sid * EPW0, NS * EPW0 + sid * EPW1)
        tbase = sid * (2 * EPW_MAX)
        H = EPW_MAX // 4
        nh = jnp.where(cid == 0, EPW0 // H, EPW1 // H + 1)

        def stage(h, _):
            n = jnp.minimum(H, epw - h * H)
            pltpu.sync_copy(src_hbm.at[pl.ds(ebase + h * H, n)],
                            vtmp.at[pl.ds(0, n)])
            pltpu.sync_copy(vtmp.at[pl.ds(0, n)],
                            sidx.at[pl.ds(tbase + h * H, n)])
            pltpu.sync_copy(dst_hbm.at[pl.ds(ebase + h * H, n)],
                            vtmp.at[pl.ds(0, n)])
            pltpu.sync_copy(vtmp.at[pl.ds(0, n)],
                            sidx.at[pl.ds(tbase + EPW_MAX + h * H, n)])
            return 0

        lax.fori_loop(0, nh, stage, 0)
        plsc.subcore_barrier()

        def gather(c, b):
            pltpu.sync_copy(sidx.at[pl.ds(tbase + c * K, K)], src_v[b])
            pltpu.async_copy(x_hbm.at[src_v[b]], rows[b], sem_g[b])
            pltpu.sync_copy(sidx.at[pl.ds(tbase + EPW_MAX + c * K, K)],
                            dst_v[b])

        def wait_gather(c, b):
            pltpu.make_async_copy(x_hbm.at[src_v[b]], rows[b],
                                  sem_g[b]).wait()

        def scatter(c, b):
            pltpu.async_copy(rows[b], acc.at[dst_v[b]], sem_s[b], add=True)

        def wait_scatter(c, b):
            pltpu.make_async_copy(rows[b], acc.at[dst_v[b]], sem_s[b]).wait()

        for b in range(NBUF):
            gather(b, b)

        def round_body(r, _):
            base = r * NBUF
            for b in range(NBUF):
                wait_gather(base + b, b)
                scatter(base + b, b)
            for b in range(NBUF):
                wait_scatter(base + b, b)
                gather(base + b + NBUF, b)
            return 0

        nround = nchunk // NBUF
        lax.fori_loop(0, nround - 1, round_body, 0)

        base = (nround - 1) * NBUF
        for b in range(NBUF):
            wait_gather(base + b, b)
            scatter(base + b, b)
        for b in range(NBUF):
            wait_scatter(base + b, b)
        plsc.subcore_barrier()

        pltpu.sync_copy(acc.at[pl.ds(zbase, ROWS_PER_TILE)],
                        out_hbm.at[cid, pl.ds(zbase, ROWS_PER_TILE)])

    return seg_sum(x, src1, dst1, zeros)


BLK = 1000


def _tc_combine(p0, p1, x, wr_t, wt_t, b):
    def body(p0_ref, p1_ref, x_ref, wr_ref, wt_ref, b_ref, o_ref):
        agg = p0_ref[...] + p1_ref[...]
        o_ref[...] = (
            jnp.dot(agg, wr_ref[...], preferred_element_type=jnp.float32)
            + jnp.dot(x_ref[...], wt_ref[...], preferred_element_type=jnp.float32)
            + b_ref[...]
        )

    return pl.pallas_call(
        body,
        grid=(N_NODES // BLK,),
        in_specs=[
            pl.BlockSpec((BLK, D), lambda i: (i, 0)),
            pl.BlockSpec((BLK, D), lambda i: (i, 0)),
            pl.BlockSpec((BLK, D), lambda i: (i, 0)),
            pl.BlockSpec((D, D), lambda i: (0, 0)),
            pl.BlockSpec((D, D), lambda i: (0, 0)),
            pl.BlockSpec((1, D), lambda i: (0, 0)),
        ],
        out_specs=pl.BlockSpec((BLK, D), lambda i: (i, 0)),
        out_shape=jax.ShapeDtypeStruct((N_NODES, D), jnp.float32),
    )(p0, p1, x, wr_t, wt_t, b)


def kernel(x, edge_index, W_rel, b_rel, W_root):
    src = edge_index[0].astype(jnp.int32)
    dst = edge_index[1].astype(jnp.int32)
    npad = E_PAD - N_EDGES
    src1 = jnp.concatenate([src, jnp.zeros((npad,), jnp.int32)])
    dst1 = jnp.concatenate([dst, jnp.full((npad,), N_NODES, jnp.int32)])
    zeros = jnp.zeros((ROWS_PER_TILE, D), jnp.float32)
    partials = _sc_segment_sum(x, src1, dst1, zeros)
    return _tc_combine(partials[0, :N_NODES], partials[1, :N_NODES], x,
                       W_rel.T, W_root.T, b_rel.reshape(1, D))

# --- scband reference (transcript-rebuilt; emitter-appended) ---
"""Pipeline reference for scband-graph-conv-layer-9586367005311 (READ-ONLY COPY).

The authoritative reference and input builder live on the scoring server;
editing this copy changes nothing except your own understanding.
"""

import jax, jax.numpy as jnp
import numpy as np

N_NODES = 10000
N_EDGES = 320000
D_IN = 128
D_OUT = 128

def setup_inputs(seed: int = 0) -> dict:
    key = jax.random.key(seed)
    k1, k2, k3, k4, k5 = jax.random.split(key, 5)
    x = jax.random.normal(k1, (N_NODES, D_IN), dtype=jnp.float32)
    edge_index = jax.random.randint(k2, (2, N_EDGES), 0, N_NODES, dtype=jnp.int64)
    # PyG GraphConv params: lin_rel (with bias) applied to aggregated neighbors,
    # lin_root (no bias) applied to self features. Glorot-ish init.
    scale = 1.0 / np.sqrt(D_IN)
    W_rel = jax.random.uniform(k3, (D_OUT, D_IN), dtype=jnp.float32, minval=-scale, maxval=scale)
    b_rel = jax.random.uniform(k4, (D_OUT,), dtype=jnp.float32, minval=-scale, maxval=scale)
    W_root = jax.random.uniform(k5, (D_OUT, D_IN), dtype=jnp.float32, minval=-scale, maxval=scale)
    return {"x": x, "edge_index": edge_index, "W_rel": W_rel, "b_rel": b_rel, "W_root": W_root}

def reference(x, edge_index, W_rel, b_rel, W_root):
    # GraphConv (Morris et al.), aggr='add':
    #   out_i = W_root x_i + W_rel * sum_{j in N(i)} x_j + b_rel
    # message flows source (edge_index[0]) -> target (edge_index[1])
    src = edge_index[0]
    dst = edge_index[1]
    msgs = jnp.take(x, src, axis=0)                       # gather [E, D_IN]
    agg = jax.ops.segment_sum(msgs, dst, num_segments=x.shape[0])  # scatter-add [N, D_IN]
    out = agg @ W_rel.T + b_rel + x @ W_root.T
    # Dropout is identity in eval mode; omitted.
    return out

if __name__ == "__main__":
    import jax
    _d = setup_inputs()
    print(jax.jit(kernel)(*tuple(_d.values())))

</pallas_src>

<mosaic_0001>
#map = affine_map<(d0, d1) -> (0, 0)>
#map1 = affine_map<(d0, d1) -> (0)>
#map2 = affine_map<(d0, d1) -> (0, 0, 0)>
module attributes {stable_mosaic.version = 14 : i64} {
  func.func @seg_sum(%arg0: i32, %arg1: i32, %arg2: memref<10000x128xf32, #tpu.memory_space<hbm>>, %arg3: memref<322560xi32, #tpu.memory_space<hbm>>, %arg4: memref<322560xi32, #tpu.memory_space<hbm>>, %arg5: memref<640x128xf32, #tpu.memory_space<hbm>>, %arg6: memref<2x10240x128xf32, #tpu.memory_space<hbm>>, %arg7: memref<80xi32, #tpu.memory_space<vmem>>, %arg8: memref<80xi32, #tpu.memory_space<vmem>>, %arg9: memref<80xi32, #tpu.memory_space<vmem>>, %arg10: memref<80xi32, #tpu.memory_space<vmem>>, %arg11: memref<80x128xf32, #tpu.memory_space<vmem>>, %arg12: memref<80x128xf32, #tpu.memory_space<vmem>>, %arg13: memref<10240x128xf32, #tpu.memory_space<vmem_shared>>, %arg14: memref<389120xi32, #tpu.memory_space<vmem_shared>>, %arg15: memref<3040xi32, #tpu.memory_space<vmem>>, %arg16: memref<!tpu.dma_semaphore, #tpu.memory_space<semaphore_mem>>, %arg17: memref<!tpu.dma_semaphore, #tpu.memory_space<semaphore_mem>>, %arg18: memref<!tpu.dma_semaphore, #tpu.memory_space<semaphore_mem>>, %arg19: memref<!tpu.dma_semaphore, #tpu.memory_space<semaphore_mem>>) attributes {dimension_semantics = [#tpu.dimension_semantics<core_parallel>, #tpu.dimension_semantics<subcore_parallel>], iteration_bounds = array<i64: 2, 16>, scalar_prefetch = 0 : i64, scratch_operands = 13 : i64, tpu.core_type = #tpu.core_type<sc_vector_subcore>, window_params = [{transform_indices = #map}, {transform_indices = #map1}, {transform_indices = #map1}, {transform_indices = #map}, {transform_indices = #map2}]} {
    %mul3A = arith.constant 640 : i32
    %mul3A_0 = arith.muli %arg1, %mul3A : i32
    "tpu.region"() ({
      %run_scoped3A = tpu.sem_alloc : memref<!tpu.dma_semaphore, #tpu.memory_space<semaphore_mem>>
      %dma_start3A_117 = arith.constant 0 : i32
      %dma_start3A_118 = tpu.memref_slice %arg13[%mul3A_0, %dma_start3A_117] : memref<10240x128xf32, #tpu.memory_space<vmem_shared>> -> memref<640x128xf32, #tpu.memory_space<vmem_shared>>
      tpu.enqueue_dma source(%arg5 : memref<640x128xf32, #tpu.memory_space<hbm>>) target(%dma_start3A_118 : memref<640x128xf32, #tpu.memory_space<vmem_shared>>) target_semaphore(%run_scoped3A : memref<!tpu.dma_semaphore, #tpu.memory_space<semaphore_mem>>)
      %dma_wait3A_119 = arith.constant 0 : i32
      %dma_wait3A_120 = tpu.memref_slice %arg13[%mul3A_0, %dma_wait3A_119] : memref<10240x128xf32, #tpu.memory_space<vmem_shared>> -> memref<640x128xf32, #tpu.memory_space<vmem_shared>>
      tpu.wait_dma2 semaphore(%run_scoped3A : memref<!tpu.dma_semaphore, #tpu.memory_space<semaphore_mem>>) src(%arg5 : memref<640x128xf32, #tpu.memory_space<hbm>>) dst(%dma_wait3A_120 : memref<640x128xf32, #tpu.memory_space<vmem_shared>>)
      tpu.yield
    }) : () -> ()
    %eq3A = arith.constant 0 : i32
    %eq3A_1 = arith.cmpi eq, %arg0, %eq3A : i32
    %jit3A = arith.constant 12160 : i32
    %jit3A_2 = arith.constant 8000 : i32
    %select_n3A = arith.select %eq3A_1, %jit3A, %jit3A_2 : i32
    %eq3A_3 = arith.constant 0 : i32
    %eq3A_4 = arith.cmpi eq, %arg0, %eq3A_3 : i32
    %jit3A_5 = arith.constant 152 : i32
    %jit3A_6 = arith.constant 100 : i32
    %select_n3A_7 = arith.select %eq3A_4, %jit3A_5, %jit3A_6 : i32
    %eq3A_8 = arith.constant 0 : i32
    %eq3A_9 = arith.cmpi eq, %arg0, %eq3A_8 : i32
    %mul3A_10 = arith.constant 12160 : i32
    %mul3A_11 = arith.muli %arg1, %mul3A_10 : i32
    %mul3A_12 = arith.constant 8000 : i32
    %mul3A_13 = arith.muli %arg1, %mul3A_12 : i32
    %add3A = arith.constant 194560 : i32
    %add3A_14 = arith.addi %add3A, %mul3A_13 : i32
    %select_n3A_15 = arith.select %eq3A_9, %mul3A_11, %add3A_14 : i32
    %mul3A_16 = arith.constant 24320 : i32
    %mul3A_17 = arith.muli %arg1, %mul3A_16 : i32
    %eq3A_18 = arith.constant 0 : i32
    %eq3A_19 = arith.cmpi eq, %arg0, %eq3A_18 : i32
    %jit3A_20 = arith.constant 4 : i32
    %jit3A_21 = arith.constant 3 : i32
    %select_n3A_22 = arith.select %eq3A_19, %jit3A_20, %jit3A_21 : i32
    %while3A = arith.constant 0 : i32
    %while3A_23 = arith.constant 0 : i32
    %while3A_24 = arith.subi %select_n3A_22, %while3A : i32
    %while3A_25 = arith.addi %while3A, %while3A_24 : i32
    %while3A_26 = arith.constant 1 : i32
    %while3A_27 = arith.divsi %while3A_24, %while3A_26 : i32
    %while3A_28 = arith.muli %while3A_27, %while3A_26 : i32
    %while3A_29 = arith.addi %while3A, %while3A_28 : i32
    %while3A_30 = arith.constant 1 : i32
    %while3A_31 = scf.for %while3A_117 = %while3A to %while3A_29 step %while3A_30 iter_args(%while3A_118 = %while3A_23) -> (i32)  : i32 {
      %mul3A_119 = arith.constant 3040 : i32
      %mul3A_120 = arith.muli %while3A_117, %mul3A_119 : i32
      %sub3A_121 = arith.subi %select_n3A, %mul3A_120 : i32
      %min3A = arith.constant 3040 : i32
      %min3A_122 = arith.minsi %min3A, %sub3A_121 : i32
      %mul3A_123 = arith.constant 3040 : i32
      %mul3A_124 = arith.muli %while3A_117, %mul3A_123 : i32
      %add3A_125 = arith.addi %select_n3A_15, %mul3A_124 : i32
      "tpu.region"() ({
        %run_scoped3A = tpu.sem_alloc : memref<!tpu.dma_semaphore, #tpu.memory_space<semaphore_mem>>
        %dma_start3A_138 = arith.constant 0 : i32
        %dma_start3A_139 = tpu.memref_slice %arg15[%dma_start3A_138] <%min3A_122> : memref<3040xi32, #tpu.memory_space<vmem>> -> memref<?xi32, #tpu.memory_space<vmem>>
        %dma_start3A_140 = tpu.memref_slice %arg3[%add3A_125] <%min3A_122> : memref<322560xi32, #tpu.memory_space<hbm>> -> memref<?xi32, #tpu.memory_space<hbm>>
        %dma_start3A_141 = arith.constant 0 : i32
        %dma_start3A_142 = tpu.memref_slice %arg15[%dma_start3A_141] <%min3A_122> : memref<3040xi32, #tpu.memory_space<vmem>> -> memref<?xi32, #tpu.memory_space<vmem>>
        %dma_start3A_143 = tpu.memref_slice %arg3[%add3A_125] <%min3A_122> : memref<322560xi32, #tpu.memory_space<hbm>> -> memref<?xi32, #tpu.memory_space<hbm>>
        tpu.enqueue_dma source(%dma_start3A_143 : memref<?xi32, #tpu.memory_space<hbm>>) target(%dma_start3A_142 : memref<?xi32, #tpu.memory_space<vmem>>) target_semaphore(%run_scoped3A : memref<!tpu.dma_semaphore, #tpu.memory_space<semaphore_mem>>)
        %dma_wait3A_144 = arith.constant 0 : i32
        %dma_wait3A_145 = tpu.memref_slice %arg15[%dma_wait3A_144] <%min3A_122> : memref<3040xi32, #tpu.memory_space<vmem>> -> memref<?xi32, #tpu.memory_space<vmem>>
        %dma_wait3A_146 = tpu.memref_slice %arg3[%add3A_125] <%min3A_122> : memref<322560xi32, #tpu.memory_space<hbm>> -> memref<?xi32, #tpu.memory_space<hbm>>
        %dma_wait3A_147 = arith.constant 0 : i32
        %dma_wait3A_148 = tpu.memref_slice %arg15[%dma_wait3A_147] <%min3A_122> : memref<3040xi32, #tpu.memory_space<vmem>> -> memref<?xi32, #tpu.memory_space<vmem>>
        %dma_wait3A_149 = tpu.memref_slice %arg3[%add3A_125] <%min3A_122> : memref<322560xi32, #tpu.memory_space<hbm>> -> memref<?xi32, #tpu.memory_space<hbm>>
        tpu.wait_dma2 semaphore(%run_scoped3A : memref<!tpu.dma_semaphore, #tpu.memory_space<semaphore_mem>>) src(%dma_wait3A_149 : memref<?xi32, #tpu.memory_space<hbm>>) dst(%dma_wait3A_148 : memref<?xi32, #tpu.memory_space<vmem>>)
        tpu.yield
      }) : () -> ()
      %mul3A_126 = arith.constant 3040 : i32
      %mul3A_127 = arith.muli %while3A_117, %mul3A_126 : i32
      %add3A_128 = arith.addi %mul3A_17, %mul3A_127 : i32
      "tpu.region"() ({
        %run_scoped3A = tpu.sem_alloc : memref<!tpu.dma_semaphore, #tpu.memory_space<semaphore_mem>>
        %dma_start3A_138 = arith.constant 0 : i32
        %dma_start3A_139 = tpu.memref_slice %arg15[%dma_start3A_138] <%min3A_122> : memref<3040xi32, #tpu.memory_space<vmem>> -> memref<?xi32, #tpu.memory_space<vmem>>
        %dma_start3A_140 = tpu.memref_slice %arg14[%add3A_128] <%min3A_122> : memref<389120xi32, #tpu.memory_space<vmem_shared>> -> memref<?xi32, #tpu.memory_space<vmem_shared>>
        %dma_start3A_141 = tpu.memref_slice %arg14[%add3A_128] <%min3A_122> : memref<389120xi32, #tpu.memory_space<vmem_shared>> -> memref<?xi32, #tpu.memory_space<vmem_shared>>
        %dma_start3A_142 = arith.constant 0 : i32
        %dma_start3A_143 = tpu.memref_slice %arg15[%dma_start3A_142] <%min3A_122> : memref<3040xi32, #tpu.memory_space<vmem>> -> memref<?xi32, #tpu.memory_space<vmem>>
        tpu.enqueue_dma source(%dma_start3A_143 : memref<?xi32, #tpu.memory_space<vmem>>) target(%dma_start3A_141 : memref<?xi32, #tpu.memory_space<vmem_shared>>) target_semaphore(%run_scoped3A : memref<!tpu.dma_semaphore, #tpu.memory_space<semaphore_mem>>)
        %dma_wait3A_144 = arith.constant 0 : i32
        %dma_wait3A_145 = tpu.memref_slice %arg15[%dma_wait3A_144] <%min3A_122> : memref<3040xi32, #tpu.memory_space<vmem>> -> memref<?xi32, #tpu.memory_space<vmem>>
        %dma_wait3A_146 = tpu.memref_slice %arg14[%add3A_128] <%min3A_122> : memref<389120xi32, #tpu.memory_space<vmem_shared>> -> memref<?xi32, #tpu.memory_space<vmem_shared>>
        %dma_wait3A_147 = tpu.memref_slice %arg14[%add3A_128] <%min3A_122> : memref<389120xi32, #tpu.memory_space<vmem_shared>> -> memref<?xi32, #tpu.memory_space<vmem_shared>>
        %dma_wait3A_148 = arith.constant 0 : i32
        %dma_wait3A_149 = tpu.memref_slice %arg15[%dma_wait3A_148] <%min3A_122> : memref<3040xi32, #tpu.memory_space<vmem>> -> memref<?xi32, #tpu.memory_space<vmem>>
        tpu.wait_dma2 semaphore(%run_scoped3A : memref<!tpu.dma_semaphore, #tpu.memory_space<semaphore_mem>>) src(%dma_wait3A_149 : memref<?xi32, #tpu.memory_space<vmem>>) dst(%dma_wait3A_147 : memref<?xi32, #tpu.memory_space<vmem_shared>>)
        tpu.yield
      }) : () -> ()
      %mul3A_129 = arith.constant 3040 : i32
      %mul3A_130 = arith.muli %while3A_117, %mul3A_129 : i32
      %add3A_131 = arith.addi %select_n3A_15, %mul3A_130 : i32
      "tpu.region"() ({
        %run_scoped3A = tpu.sem_alloc : memref<!tpu.dma_semaphore, #tpu.memory_space<semaphore_mem>>
        %dma_start3A_138 = arith.constant 0 : i32
        %dma_start3A_139 = tpu.memref_slice %arg15[%dma_start3A_138] <%min3A_122> : memref<3040xi32, #tpu.memory_space<vmem>> -> memref<?xi32, #tpu.memory_space<vmem>>
        %dma_start3A_140 = tpu.memref_slice %arg4[%add3A_131] <%min3A_122> : memref<322560xi32, #tpu.memory_space<hbm>> -> memref<?xi32, #tpu.memory_space<hbm>>
        %dma_start3A_141 = arith.constant 0 : i32
        %dma_start3A_142 = tpu.memref_slice %arg15[%dma_start3A_141] <%min3A_122> : memref<3040xi32, #tpu.memory_space<vmem>> -> memref<?xi32, #tpu.memory_space<vmem>>
        %dma_start3A_143 = tpu.memref_slice %arg4[%add3A_131] <%min3A_122> : memref<322560xi32, #tpu.memory_space<hbm>> -> memref<?xi32, #tpu.memory_space<hbm>>
        tpu.enqueue_dma source(%dma_start3A_143 : memref<?xi32, #tpu.memory_space<hbm>>) target(%dma_start3A_142 : memref<?xi32, #tpu.memory_space<vmem>>) target_semaphore(%run_scoped3A : memref<!tpu.dma_semaphore, #tpu.memory_space<semaphore_mem>>)
        %dma_wait3A_144 = arith.constant 0 : i32
        %dma_wait3A_145 = tpu.memref_slice %arg15[%dma_wait3A_144] <%min3A_122> : memref<3040xi32, #tpu.memory_space<vmem>> -> memref<?xi32, #tpu.memory_space<vmem>>
        %dma_wait3A_146 = tpu.memref_slice %arg4[%add3A_131] <%min3A_122> : memref<322560xi32, #tpu.memory_space<hbm>> -> memref<?xi32, #tpu.memory_space<hbm>>
        %dma_wait3A_147 = arith.constant 0 : i32
        %dma_wait3A_148 = tpu.memref_slice %arg15[%dma_wait3A_147] <%min3A_122> : memref<3040xi32, #tpu.memory_space<vmem>> -> memref<?xi32, #tpu.memory_space<vmem>>
        %dma_wait3A_149 = tpu.memref_slice %arg4[%add3A_131] <%min3A_122> : memref<322560xi32, #tpu.memory_space<hbm>> -> memref<?xi32, #tpu.memory_space<hbm>>
        tpu.wait_dma2 semaphore(%run_scoped3A : memref<!tpu.dma_semaphore, #tpu.memory_space<semaphore_mem>>) src(%dma_wait3A_149 : memref<?xi32, #tpu.memory_space<hbm>>) dst(%dma_wait3A_148 : memref<?xi32, #tpu.memory_space<vmem>>)
        tpu.yield
      }) : () -> ()
      %add3A_132 = arith.constant 12160 : i32
      %add3A_133 = arith.addi %mul3A_17, %add3A_132 : i32
      %mul3A_134 = arith.constant 3040 : i32
      %mul3A_135 = arith.muli %while3A_117, %mul3A_134 : i32
      %add3A_136 = arith.addi %add3A_133, %mul3A_135 : i32
      "tpu.region"() ({
        %run_scoped3A = tpu.sem_alloc : memref<!tpu.dma_semaphore, #tpu.memory_space<semaphore_mem>>
        %dma_start3A_138 = arith.constant 0 : i32
        %dma_start3A_139 = tpu.memref_slice %arg15[%dma_start3A_138] <%min3A_122> : memref<3040xi32, #tpu.memory_space<vmem>> -> memref<?xi32, #tpu.memory_space<vmem>>
        %dma_start3A_140 = tpu.memref_slice %arg14[%add3A_136] <%min3A_122> : memref<389120xi32, #tpu.memory_space<vmem_shared>> -> memref<?xi32, #tpu.memory_space<vmem_shared>>
        %dma_start3A_141 = tpu.memref_slice %arg14[%add3A_136] <%min3A_122> : memref<389120xi32, #tpu.memory_space<vmem_shared>> -> memref<?xi32, #tpu.memory_space<vmem_shared>>
        %dma_start3A_142 = arith.constant 0 : i32
        %dma_start3A_143 = tpu.memref_slice %arg15[%dma_start3A_142] <%min3A_122> : memref<3040xi32, #tpu.memory_space<vmem>> -> memref<?xi32, #tpu.memory_space<vmem>>
        tpu.enqueue_dma source(%dma_start3A_143 : memref<?xi32, #tpu.memory_space<vmem>>) target(%dma_start3A_141 : memref<?xi32, #tpu.memory_space<vmem_shared>>) target_semaphore(%run_scoped3A : memref<!tpu.dma_semaphore, #tpu.memory_space<semaphore_mem>>)
        %dma_wait3A_144 = arith.constant 0 : i32
        %dma_wait3A_145 = tpu.memref_slice %arg15[%dma_wait3A_144] <%min3A_122> : memref<3040xi32, #tpu.memory_space<vmem>> -> memref<?xi32, #tpu.memory_space<vmem>>
        %dma_wait3A_146 = tpu.memref_slice %arg14[%add3A_136] <%min3A_122> : memref<389120xi32, #tpu.memory_space<vmem_shared>> -> memref<?xi32, #tpu.memory_space<vmem_shared>>
        %dma_wait3A_147 = tpu.memref_slice %arg14[%add3A_136] <%min3A_122> : memref<389120xi32, #tpu.memory_space<vmem_shared>> -> memref<?xi32, #tpu.memory_space<vmem_shared>>
        %dma_wait3A_148 = arith.constant 0 : i32
        %dma_wait3A_149 = tpu.memref_slice %arg15[%dma_wait3A_148] <%min3A_122> : memref<3040xi32, #tpu.memory_space<vmem>> -> memref<?xi32, #tpu.memory_space<vmem>>
        tpu.wait_dma2 semaphore(%run_scoped3A : memref<!tpu.dma_semaphore, #tpu.memory_space<semaphore_mem>>) src(%dma_wait3A_149 : memref<?xi32, #tpu.memory_space<vmem>>) dst(%dma_wait3A_147 : memref<?xi32, #tpu.memory_space<vmem_shared>>)
        tpu.yield
      }) : () -> ()
      %while3A_137 = arith.constant 0 : i32
      scf.yield %while3A_137 : i32
    }
    %while3A_32 = arith.constant 1 : i32
    %while3A_33 = scf.for %while3A_117 = %while3A_29 to %while3A_25 step %while3A_32 iter_args(%while3A_118 = %while3A_31) -> (i32)  : i32 {
      %mul3A_119 = arith.constant 3040 : i32
      %mul3A_120 = arith.muli %while3A_117, %mul3A_119 : i32
      %sub3A_121 = arith.subi %select_n3A, %mul3A_120 : i32
      %min3A = arith.constant 3040 : i32
      %min3A_122 = arith.minsi %min3A, %sub3A_121 : i32
      %mul3A_123 = arith.constant 3040 : i32
      %mul3A_124 = arith.muli %while3A_117, %mul3A_123 : i32
      %add3A_125 = arith.addi %select_n3A_15, %mul3A_124 : i32
      "tpu.region"() ({
        %run_scoped3A = tpu.sem_alloc : memref<!tpu.dma_semaphore, #tpu.memory_space<semaphore_mem>>
        %dma_start3A_138 = arith.constant 0 : i32
        %dma_start3A_139 = tpu.memref_slice %arg15[%dma_start3A_138] <%min3A_122> : memref<3040xi32, #tpu.memory_space<vmem>> -> memref<?xi32, #tpu.memory_space<vmem>>
        %dma_start3A_140 = tpu.memref_slice %arg3[%add3A_125] <%min3A_122> : memref<322560xi32, #tpu.memory_space<hbm>> -> memref<?xi32, #tpu.memory_space<hbm>>
        %dma_start3A_141 = arith.constant 0 : i32
        %dma_start3A_142 = tpu.memref_slice %arg15[%dma_start3A_141] <%min3A_122> : memref<3040xi32, #tpu.memory_space<vmem>> -> memref<?xi32, #tpu.memory_space<vmem>>
        %dma_start3A_143 = tpu.memref_slice %arg3[%add3A_125] <%min3A_122> : memref<322560xi32, #tpu.memory_space<hbm>> -> memref<?xi32, #tpu.memory_space<hbm>>
        tpu.enqueue_dma source(%dma_start3A_143 : memref<?xi32, #tpu.memory_space<hbm>>) target(%dma_start3A_142 : memref<?xi32, #tpu.memory_space<vmem>>) target_semaphore(%run_scoped3A : memref<!tpu.dma_semaphore, #tpu.memory_space<semaphore_mem>>)
        %dma_wait3A_144 = arith.constant 0 : i32
        %dma_wait3A_145 = tpu.memref_slice %arg15[%dma_wait3A_144] <%min3A_122> : memref<3040xi32, #tpu.memory_space<vmem>> -> memref<?xi32, #tpu.memory_space<vmem>>
        %dma_wait3A_146 = tpu.memref_slice %arg3[%add3A_125] <%min3A_122> : memref<322560xi32, #tpu.memory_space<hbm>> -> memref<?xi32, #tpu.memory_space<hbm>>
        %dma_wait3A_147 = arith.constant 0 : i32
        %dma_wait3A_148 = tpu.memref_slice %arg15[%dma_wait3A_147] <%min3A_122> : memref<3040xi32, #tpu.memory_space<vmem>> -> memref<?xi32, #tpu.memory_space<vmem>>
        %dma_wait3A_149 = tpu.memref_slice %arg3[%add3A_125] <%min3A_122> : memref<322560xi32, #tpu.memory_space<hbm>> -> memref<?xi32, #tpu.memory_space<hbm>>
        tpu.wait_dma2 semaphore(%run_scoped3A : memref<!tpu.dma_semaphore, #tpu.memory_space<semaphore_mem>>) src(%dma_wait3A_149 : memref<?xi32, #tpu.memory_space<hbm>>) dst(%dma_wait3A_148 : memref<?xi32, #tpu.memory_space<vmem>>)
        tpu.yield
      }) : () -> ()
      %mul3A_126 = arith.constant 3040 : i32
      %mul3A_127 = arith.muli %while3A_117, %mul3A_126 : i32
      %add3A_128 = arith.addi %mul3A_17, %mul3A_127 : i32
      "tpu.region"() ({
        %run_scoped3A = tpu.sem_alloc : memref<!tpu.dma_semaphore, #tpu.memory_space<semaphore_mem>>
        %dma_start3A_138 = arith.constant 0 : i32
        %dma_start3A_139 = tpu.memref_slice %arg15[%dma_start3A_138] <%min3A_122> : memref<3040xi32, #tpu.memory_space<vmem>> -> memref<?xi32, #tpu.memory_space<vmem>>
        %dma_start3A_140 = tpu.memref_slice %arg14[%add3A_128] <%min3A_122> : memref<389120xi32, #tpu.memory_space<vmem_shared>> -> memref<?xi32, #tpu.memory_space<vmem_shared>>
        %dma_start3A_141 = tpu.memref_slice %arg14[%add3A_128] <%min3A_122> : memref<389120xi32, #tpu.memory_space<vmem_shared>> -> memref<?xi32, #tpu.memory_space<vmem_shared>>
        %dma_start3A_142 = arith.constant 0 : i32
        %dma_start3A_143 = tpu.memref_slice %arg15[%dma_start3A_142] <%min3A_122> : memref<3040xi32, #tpu.memory_space<vmem>> -> memref<?xi32, #tpu.memory_space<vmem>>
        tpu.enqueue_dma source(%dma_start3A_143 : memref<?xi32, #tpu.memory_space<vmem>>) target(%dma_start3A_141 : memref<?xi32, #tpu.memory_space<vmem_shared>>) target_semaphore(%run_scoped3A : memref<!tpu.dma_semaphore, #tpu.memory_space<semaphore_mem>>)
        %dma_wait3A_144 = arith.constant 0 : i32
        %dma_wait3A_145 = tpu.memref_slice %arg15[%dma_wait3A_144] <%min3A_122> : memref<3040xi32, #tpu.memory_space<vmem>> -> memref<?xi32, #tpu.memory_space<vmem>>
        %dma_wait3A_146 = tpu.memref_slice %arg14[%add3A_128] <%min3A_122> : memref<389120xi32, #tpu.memory_space<vmem_shared>> -> memref<?xi32, #tpu.memory_space<vmem_shared>>
        %dma_wait3A_147 = tpu.memref_slice %arg14[%add3A_128] <%min3A_122> : memref<389120xi32, #tpu.memory_space<vmem_shared>> -> memref<?xi32, #tpu.memory_space<vmem_shared>>
        %dma_wait3A_148 = arith.constant 0 : i32
        %dma_wait3A_149 = tpu.memref_slice %arg15[%dma_wait3A_148] <%min3A_122> : memref<3040xi32, #tpu.memory_space<vmem>> -> memref<?xi32, #tpu.memory_space<vmem>>
        tpu.wait_dma2 semaphore(%run_scoped3A : memref<!tpu.dma_semaphore, #tpu.memory_space<semaphore_mem>>) src(%dma_wait3A_149 : memref<?xi32, #tpu.memory_space<vmem>>) dst(%dma_wait3A_147 : memref<?xi32, #tpu.memory_space<vmem_shared>>)
        tpu.yield
      }) : () -> ()
      %mul3A_129 = arith.constant 3040 : i32
      %mul3A_130 = arith.muli %while3A_117, %mul3A_129 : i32
      %add3A_131 = arith.addi %select_n3A_15, %mul3A_130 : i32
      "tpu.region"() ({
        %run_scoped3A = tpu.sem_alloc : memref<!tpu.dma_semaphore, #tpu.memory_space<semaphore_mem>>
        %dma_start3A_138 = arith.constant 0 : i32
        %dma_start3A_139 = tpu.memref_slice %arg15[%dma_start3A_138] <%min3A_122> : memref<3040xi32, #tpu.memory_space<vmem>> -> memref<?xi32, #tpu.memory_space<vmem>>
        %dma_start3A_140 = tpu.memref_slice %arg4[%add3A_131] <%min3A_122> : memref<322560xi32, #tpu.memory_space<hbm>> -> memref<?xi32, #tpu.memory_space<hbm>>
        %dma_start3A_141 = arith.constant 0 : i32
        %dma_start3A_142 = tpu.memref_slice %arg15[%dma_start3A_141] <%min3A_122> : memref<3040xi32, #tpu.memory_space<vmem>> -> memref<?xi32, #tpu.memory_space<vmem>>
        %dma_start3A_143 = tpu.memref_slice %arg4[%add3A_131] <%min3A_122> : memref<322560xi32, #tpu.memory_space<hbm>> -> memref<?xi32, #tpu.memory_space<hbm>>
        tpu.enqueue_dma source(%dma_start3A_143 : memref<?xi32, #tpu.memory_space<hbm>>) target(%dma_start3A_142 : memref<?xi32, #tpu.memory_space<vmem>>) target_semaphore(%run_scoped3A : memref<!tpu.dma_semaphore, #tpu.memory_space<semaphore_mem>>)
        %dma_wait3A_144 = arith.constant 0 : i32
        %dma_wait3A_145 = tpu.memref_slice %arg15[%dma_wait3A_144] <%min3A_122> : memref<3040xi32, #tpu.memory_space<vmem>> -> memref<?xi32, #tpu.memory_space<vmem>>
        %dma_wait3A_146 = tpu.memref_slice %arg4[%add3A_131] <%min3A_122> : memref<322560xi32, #tpu.memory_space<hbm>> -> memref<?xi32, #tpu.memory_space<hbm>>
        %dma_wait3A_147 = arith.constant 0 : i32
        %dma_wait3A_148 = tpu.memref_slice %arg15[%dma_wait3A_147] <%min3A_122> : memref<3040xi32, #tpu.memory_space<vmem>> -> memref<?xi32, #tpu.memory_space<vmem>>
        %dma_wait3A_149 = tpu.memref_slice %arg4[%add3A_131] <%min3A_122> : memref<322560xi32, #tpu.memory_space<hbm>> -> memref<?xi32, #tpu.memory_space<hbm>>
        tpu.wait_dma2 semaphore(%run_scoped3A : memref<!tpu.dma_semaphore, #tpu.memory_space<semaphore_mem>>) src(%dma_wait3A_149 : memref<?xi32, #tpu.memory_space<hbm>>) dst(%dma_wait3A_148 : memref<?xi32, #tpu.memory_space<vmem>>)
        tpu.yield
      }) : () -> ()
      %add3A_132 = arith.constant 12160 : i32
      %add3A_133 = arith.addi %mul3A_17, %add3A_132 : i32
      %mul3A_134 = arith.constant 3040 : i32
      %mul3A_135 = arith.muli %while3A_117, %mul3A_134 : i32
      %add3A_136 = arith.addi %add3A_133, %mul3A_135 : i32
      "tpu.region"() ({
        %run_scoped3A = tpu.sem_alloc : memref<!tpu.dma_semaphore, #tpu.memory_space<semaphore_mem>>
        %dma_start3A_138 = arith.constant 0 : i32
        %dma_start3A_139 = tpu.memref_slice %arg15[%dma_start3A_138] <%min3A_122> : memref<3040xi32, #tpu.memory_space<vmem>> -> memref<?xi32, #tpu.memory_space<vmem>>
        %dma_start3A_140 = tpu.memref_slice %arg14[%add3A_136] <%min3A_122> : memref<389120xi32, #tpu.memory_space<vmem_shared>> -> memref<?xi32, #tpu.memory_space<vmem_shared>>
        %dma_start3A_141 = tpu.memref_slice %arg14[%add3A_136] <%min3A_122> : memref<389120xi32, #tpu.memory_space<vmem_shared>> -> memref<?xi32, #tpu.memory_space<vmem_shared>>
        %dma_start3A_142 = arith.constant 0 : i32
        %dma_start3A_143 = tpu.memref_slice %arg15[%dma_start3A_142] <%min3A_122> : memref<3040xi32, #tpu.memory_space<vmem>> -> memref<?xi32, #tpu.memory_space<vmem>>
        tpu.enqueue_dma source(%dma_start3A_143 : memref<?xi32, #tpu.memory_space<vmem>>) target(%dma_start3A_141 : memref<?xi32, #tpu.memory_space<vmem_shared>>) target_semaphore(%run_scoped3A : memref<!tpu.dma_semaphore, #tpu.memory_space<semaphore_mem>>)
        %dma_wait3A_144 = arith.constant 0 : i32
        %dma_wait3A_145 = tpu.memref_slice %arg15[%dma_wait3A_144] <%min3A_122> : memref<3040xi32, #tpu.memory_space<vmem>> -> memref<?xi32, #tpu.memory_space<vmem>>
        %dma_wait3A_146 = tpu.memref_slice %arg14[%add3A_136] <%min3A_122> : memref<389120xi32, #tpu.memory_space<vmem_shared>> -> memref<?xi32, #tpu.memory_space<vmem_shared>>
        %dma_wait3A_147 = tpu.memref_slice %arg14[%add3A_136] <%min3A_122> : memref<389120xi32, #tpu.memory_space<vmem_shared>> -> memref<?xi32, #tpu.memory_space<vmem_shared>>
        %dma_wait3A_148 = arith.constant 0 : i32
        %dma_wait3A_149 = tpu.memref_slice %arg15[%dma_wait3A_148] <%min3A_122> : memref<3040xi32, #tpu.memory_space<vmem>> -> memref<?xi32, #tpu.memory_space<vmem>>
        tpu.wait_dma2 semaphore(%run_scoped3A : memref<!tpu.dma_semaphore, #tpu.memory_space<semaphore_mem>>) src(%dma_wait3A_149 : memref<?xi32, #tpu.memory_space<vmem>>) dst(%dma_wait3A_147 : memref<?xi32, #tpu.memory_space<vmem_shared>>)
        tpu.yield
      }) : () -> ()
      %while3A_137 = arith.constant 0 : i32
      scf.yield %while3A_137 : i32
    }
    %barrier3A = arith.constant 0 : index
    tpu.barrier barrier_id(%barrier3A)
    %add3A_34 = arith.constant 0 : i32
    %add3A_35 = arith.addi %mul3A_17, %add3A_34 : i32
    "tpu.region"() ({
      %run_scoped3A = tpu.sem_alloc : memref<!tpu.dma_semaphore, #tpu.memory_space<semaphore_mem>>
      %dma_start3A_117 = tpu.memref_slice %arg14[%add3A_35] : memref<389120xi32, #tpu.memory_space<vmem_shared>> -> memref<80xi32, #tpu.memory_space<vmem_shared>>
      %dma_start3A_118 = tpu.memref_slice %arg14[%add3A_35] : memref<389120xi32, #tpu.memory_space<vmem_shared>> -> memref<80xi32, #tpu.memory_space<vmem_shared>>
      tpu.enqueue_dma source(%dma_start3A_118 : memref<80xi32, #tpu.memory_space<vmem_shared>>) target(%arg7 : memref<80xi32, #tpu.memory_space<vmem>>) target_semaphore(%run_scoped3A : memref<!tpu.dma_semaphore, #tpu.memory_space<semaphore_mem>>)
      %dma_wait3A_119 = tpu.memref_slice %arg14[%add3A_35] : memref<389120xi32, #tpu.memory_space<vmem_shared>> -> memref<80xi32, #tpu.memory_space<vmem_shared>>
      %dma_wait3A_120 = tpu.memref_slice %arg14[%add3A_35] : memref<389120xi32, #tpu.memory_space<vmem_shared>> -> memref<80xi32, #tpu.memory_space<vmem_shared>>
      tpu.wait_dma2 semaphore(%run_scoped3A : memref<!tpu.dma_semaphore, #tpu.memory_space<semaphore_mem>>) src(%dma_wait3A_120 : memref<80xi32, #tpu.memory_space<vmem_shared>>) dst(%arg7 : memref<80xi32, #tpu.memory_space<vmem>>)
      tpu.yield
    }) : () -> ()
    %dma_start3A = arith.constant 0 : i32
    %dma_start3A_36 = arith.constant 0 : i32
    %dma_start3A_37 = tpu.memref_slice %arg2[%dma_start3A, %dma_start3A_36] : memref<10000x128xf32, #tpu.memory_space<hbm>> -> memref<10000x128xf32, #tpu.memory_space<hbm>>
    tpu.enqueue_indirect_dma source(%dma_start3A_37 : memref<10000x128xf32, #tpu.memory_space<hbm>>) target(%arg11 : memref<80x128xf32, #tpu.memory_space<vmem>>) offsets(%arg7 : memref<80xi32, #tpu.memory_space<vmem>>) semaphore(%arg16 : memref<!tpu.dma_semaphore, #tpu.memory_space<semaphore_mem>>)
    %add3A_38 = arith.constant 12160 : i32
    %add3A_39 = arith.addi %mul3A_17, %add3A_38 : i32
    %add3A_40 = arith.constant 0 : i32
    %add3A_41 = arith.addi %add3A_39, %add3A_40 : i32
    "tpu.region"() ({
      %run_scoped3A = tpu.sem_alloc : memref<!tpu.dma_semaphore, #tpu.memory_space<semaphore_mem>>
      %dma_start3A_117 = tpu.memref_slice %arg14[%add3A_41] : memref<389120xi32, #tpu.memory_space<vmem_shared>> -> memref<80xi32, #tpu.memory_space<vmem_shared>>
      %dma_start3A_118 = tpu.memref_slice %arg14[%add3A_41] : memref<389120xi32, #tpu.memory_space<vmem_shared>> -> memref<80xi32, #tpu.memory_space<vmem_shared>>
      tpu.enqueue_dma source(%dma_start3A_118 : memref<80xi32, #tpu.memory_space<vmem_shared>>) target(%arg9 : memref<80xi32, #tpu.memory_space<vmem>>) target_semaphore(%run_scoped3A : memref<!tpu.dma_semaphore, #tpu.memory_space<semaphore_mem>>)
      %dma_wait3A_119 = tpu.memref_slice %arg14[%add3A_41] : memref<389120xi32, #tpu.memory_space<vmem_shared>> -> memref<80xi32, #tpu.memory_space<vmem_shared>>
      %dma_wait3A_120 = tpu.memref_slice %arg14[%add3A_41] : memref<389120xi32, #tpu.memory_space<vmem_shared>> -> memref<80xi32, #tpu.memory_space<vmem_shared>>
      tpu.wait_dma2 semaphore(%run_scoped3A : memref<!tpu.dma_semaphore, #tpu.memory_space<semaphore_mem>>) src(%dma_wait3A_120 : memref<80xi32, #tpu.memory_space<vmem_shared>>) dst(%arg9 : memref<80xi32, #tpu.memory_space<vmem>>)
      tpu.yield
    }) : () -> ()
    %add3A_42 = arith.constant 80 : i32
    %add3A_43 = arith.addi %mul3A_17, %add3A_42 : i32
    "tpu.region"() ({
      %run_scoped3A = tpu.sem_alloc : memref<!tpu.dma_semaphore, #tpu.memory_space<semaphore_mem>>
      %dma_start3A_117 = tpu.memref_slice %arg14[%add3A_43] : memref<389120xi32, #tpu.memory_space<vmem_shared>> -> memref<80xi32, #tpu.memory_space<vmem_shared>>
      %dma_start3A_118 = tpu.memref_slice %arg14[%add3A_43] : memref<389120xi32, #tpu.memory_space<vmem_shared>> -> memref<80xi32, #tpu.memory_space<vmem_shared>>
      tpu.enqueue_dma source(%dma_start3A_118 : memref<80xi32, #tpu.memory_space<vmem_shared>>) target(%arg8 : memref<80xi32, #tpu.memory_space<vmem>>) target_semaphore(%run_scoped3A : memref<!tpu.dma_semaphore, #tpu.memory_space<semaphore_mem>>)
      %dma_wait3A_119 = tpu.memref_slice %arg14[%add3A_43] : memref<389120xi32, #tpu.memory_space<vmem_shared>> -> memref<80xi32, #tpu.memory_space<vmem_shared>>
      %dma_wait3A_120 = tpu.memref_slice %arg14[%add3A_43] : memref<389120xi32, #tpu.memory_space<vmem_shared>> -> memref<80xi32, #tpu.memory_space<vmem_shared>>
      tpu.wait_dma2 semaphore(%run_scoped3A : memref<!tpu.dma_semaphore, #tpu.memory_space<semaphore_mem>>) src(%dma_wait3A_120 : memref<80xi32, #tpu.memory_space<vmem_shared>>) dst(%arg8 : memref<80xi32, #tpu.memory_space<vmem>>)
      tpu.yield
    }) : () -> ()
    %dma_start3A_44 = arith.constant 0 : i32
    %dma_start3A_45 = arith.constant 0 : i32
    %dma_start3A_46 = tpu.memref_slice %arg2[%dma_start3A_44, %dma_start3A_45] : memref<10000x128xf32, #tpu.memory_space<hbm>> -> memref<10000x128xf32, #tpu.memory_space<hbm>>
    tpu.enqueue_indirect_dma source(%dma_start3A_46 : memref<10000x128xf32, #tpu.memory_space<hbm>>) target(%arg12 : memref<80x128xf32, #tpu.memory_space<vmem>>) offsets(%arg8 : memref<80xi32, #tpu.memory_space<vmem>>) semaphore(%arg17 : memref<!tpu.dma_semaphore, #tpu.memory_space<semaphore_mem>>)
    %add3A_47 = arith.constant 12160 : i32
    %add3A_48 = arith.addi %mul3A_17, %add3A_47 : i32
    %add3A_49 = arith.constant 80 : i32
    %add3A_50 = arith.addi %add3A_48, %add3A_49 : i32
    "tpu.region"() ({
      %run_scoped3A = tpu.sem_alloc : memref<!tpu.dma_semaphore, #tpu.memory_space<semaphore_mem>>
      %dma_start3A_117 = tpu.memref_slice %arg14[%add3A_50] : memref<389120xi32, #tpu.memory_space<vmem_shared>> -> memref<80xi32, #tpu.memory_space<vmem_shared>>
      %dma_start3A_118 = tpu.memref_slice %arg14[%add3A_50] : memref<389120xi32, #tpu.memory_space<vmem_shared>> -> memref<80xi32, #tpu.memory_space<vmem_shared>>
      tpu.enqueue_dma source(%dma_start3A_118 : memref<80xi32, #tpu.memory_space<vmem_shared>>) target(%arg10 : memref<80xi32, #tpu.memory_space<vmem>>) target_semaphore(%run_scoped3A : memref<!tpu.dma_semaphore, #tpu.memory_space<semaphore_mem>>)
      %dma_wait3A_119 = tpu.memref_slice %arg14[%add3A_50] : memref<389120xi32, #tpu.memory_space<vmem_shared>> -> memref<80xi32, #tpu.memory_space<vmem_shared>>
      %dma_wait3A_120 = tpu.memref_slice %arg14[%add3A_50] : memref<389120xi32, #tpu.memory_space<vmem_shared>> -> memref<80xi32, #tpu.memory_space<vmem_shared>>
      tpu.wait_dma2 semaphore(%run_scoped3A : memref<!tpu.dma_semaphore, #tpu.memory_space<semaphore_mem>>) src(%dma_wait3A_120 : memref<80xi32, #tpu.memory_space<vmem_shared>>) dst(%arg10 : memref<80xi32, #tpu.memory_space<vmem>>)
      tpu.yield
    }) : () -> ()
    %jit3A_51 = arith.constant 2 : i32
    %div3A = arith.divsi %select_n3A_7, %jit3A_51 : i32
    %sign3A = arith.constant 0 : i32
    %sign3A_52 = arith.cmpi sgt, %select_n3A_7, %sign3A : i32
    %sign3A_53 = arith.extui %sign3A_52 : i1 to i32
    %sign3A_54 = arith.constant 0 : i32
    %sign3A_55 = arith.cmpi slt, %select_n3A_7, %sign3A_54 : i32
    %sign3A_56 = arith.extui %sign3A_55 : i1 to i32
    %sign3A_57 = arith.subi %sign3A_53, %sign3A_56 : i32
    %sign3A_58 = arith.constant 0 : i32
    %sign3A_59 = arith.cmpi sgt, %jit3A_51, %sign3A_58 : i32
    %sign3A_60 = arith.extui %sign3A_59 : i1 to i32
    %sign3A_61 = arith.constant 0 : i32
    %sign3A_62 = arith.cmpi slt, %jit3A_51, %sign3A_61 : i32
    %sign3A_63 = arith.extui %sign3A_62 : i1 to i32
    %sign3A_64 = arith.subi %sign3A_60, %sign3A_63 : i32
    %ne3A = arith.cmpi ne, %sign3A_57, %sign3A_64 : i32
    %rem3A = arith.remsi %select_n3A_7, %jit3A_51 : i32
    %ne3A_65 = arith.constant 0 : i32
    %ne3A_66 = arith.cmpi ne, %rem3A, %ne3A_65 : i32
    %and3A = arith.andi %ne3A, %ne3A_66 : i1
    %sub3A = arith.constant 1 : i32
    %sub3A_67 = arith.subi %div3A, %sub3A : i32
    %select_n3A_68 = arith.select %and3A, %sub3A_67, %div3A : i32
    %sub3A_69 = arith.constant 1 : i32
    %sub3A_70 = arith.subi %select_n3A_68, %sub3A_69 : i32
    %while3A_71 = arith.constant 0 : i32
    %while3A_72 = arith.constant 0 : i32
    %while3A_73 = arith.subi %sub3A_70, %while3A_71 : i32
    %while3A_74 = arith.addi %while3A_71, %while3A_73 : i32
    %while3A_75 = arith.constant 1 : i32
    %while3A_76 = arith.divsi %while3A_73, %while3A_75 : i32
    %while3A_77 = arith.muli %while3A_76, %while3A_75 : i32
    %while3A_78 = arith.addi %while3A_71, %while3A_77 : i32
    %while3A_79 = arith.constant 1 : i32
    %while3A_80 = scf.for %while3A_117 = %while3A_71 to %while3A_78 step %while3A_79 iter_args(%while3A_118 = %while3A_72) -> (i32)  : i32 {
      %mul3A_119 = arith.constant 2 : i32
      %mul3A_120 = arith.muli %while3A_117, %mul3A_119 : i32
      %add3A_121 = arith.constant 0 : i32
      %add3A_122 = arith.addi %mul3A_120, %add3A_121 : i32
      %dma_wait3A_123 = arith.constant 0 : i32
      %dma_wait3A_124 = arith.constant 0 : i32
      %dma_wait3A_125 = tpu.memref_slice %arg2[%dma_wait3A_123, %dma_wait3A_124] : memref<10000x128xf32, #tpu.memory_space<hbm>> -> memref<10000x128xf32, #tpu.memory_space<hbm>>
      tpu.wait_indirect_dma semaphore(%arg16 : memref<!tpu.dma_semaphore, #tpu.memory_space<semaphore_mem>>) src(%dma_wait3A_125 : memref<10000x128xf32, #tpu.memory_space<hbm>>) dst(%arg11 : memref<80x128xf32, #tpu.memory_space<vmem>>)
      %add3A_126 = arith.constant 0 : i32
      %add3A_127 = arith.addi %mul3A_120, %add3A_126 : i32
      %dma_start3A_128 = arith.constant 0 : i32
      %dma_start3A_129 = arith.constant 0 : i32
      %dma_start3A_130 = tpu.memref_slice %arg13[%dma_start3A_128, %dma_start3A_129] : memref<10240x128xf32, #tpu.memory_space<vmem_shared>> -> memref<10240x128xf32, #tpu.memory_space<vmem_shared>>
      tpu.enqueue_indirect_dma source(%arg11 : memref<80x128xf32, #tpu.memory_space<vmem>>) target(%dma_start3A_130 : memref<10240x128xf32, #tpu.memory_space<vmem_shared>>) offsets(%arg9 : memref<80xi32, #tpu.memory_space<vmem>>) semaphore(%arg18 : memref<!tpu.dma_semaphore, #tpu.memory_space<semaphore_mem>>) {add = true}
      %add3A_131 = arith.constant 1 : i32
      %add3A_132 = arith.addi %mul3A_120, %add3A_131 : i32
      %dma_wait3A_133 = arith.constant 0 : i32
      %dma_wait3A_134 = arith.constant 0 : i32
      %dma_wait3A_135 = tpu.memref_slice %arg2[%dma_wait3A_133, %dma_wait3A_134] : memref<10000x128xf32, #tpu.memory_space<hbm>> -> memref<10000x128xf32, #tpu.memory_space<hbm>>
      tpu.wait_indirect_dma semaphore(%arg17 : memref<!tpu.dma_semaphore, #tpu.memory_space<semaphore_mem>>) src(%dma_wait3A_135 : memref<10000x128xf32, #tpu.memory_space<hbm>>) dst(%arg12 : memref<80x128xf32, #tpu.memory_space<vmem>>)
      %add3A_136 = arith.constant 1 : i32
      %add3A_137 = arith.addi %mul3A_120, %add3A_136 : i32
      %dma_start3A_138 = arith.constant 0 : i32
      %dma_start3A_139 = arith.constant 0 : i32
      %dma_start3A_140 = tpu.memref_slice %arg13[%dma_start3A_138, %dma_start3A_139] : memref<10240x128xf32, #tpu.memory_space<vmem_shared>> -> memref<10240x128xf32, #tpu.memory_space<vmem_shared>>
      tpu.enqueue_indirect_dma source(%arg12 : memref<80x128xf32, #tpu.memory_space<vmem>>) target(%dma_start3A_140 : memref<10240x128xf32, #tpu.memory_space<vmem_shared>>) offsets(%arg10 : memref<80xi32, #tpu.memory_space<vmem>>) semaphore(%arg19 : memref<!tpu.dma_semaphore, #tpu.memory_space<semaphore_mem>>) {add = true}
      %add3A_141 = arith.constant 0 : i32
      %add3A_142 = arith.addi %mul3A_120, %add3A_141 : i32
      %dma_wait3A_143 = arith.constant 0 : i32
      %dma_wait3A_144 = arith.constant 0 : i32
      %dma_wait3A_145 = tpu.memref_slice %arg13[%dma_wait3A_143, %dma_wait3A_144] : memref<10240x128xf32, #tpu.memory_space<vmem_shared>> -> memref<10240x128xf32, #tpu.memory_space<vmem_shared>>
      tpu.wait_indirect_dma semaphore(%arg18 : memref<!tpu.dma_semaphore, #tpu.memory_space<semaphore_mem>>) src(%arg11 : memref<80x128xf32, #tpu.memory_space<vmem>>) dst(%dma_wait3A_145 : memref<10240x128xf32, #tpu.memory_space<vmem_shared>>)
      %add3A_146 = arith.constant 0 : i32
      %add3A_147 = arith.addi %mul3A_120, %add3A_146 : i32
      %add3A_148 = arith.constant 2 : i32
      %add3A_149 = arith.addi %add3A_147, %add3A_148 : i32
      %mul3A_150 = arith.constant 80 : i32
      %mul3A_151 = arith.muli %add3A_149, %mul3A_150 : i32
      %add3A_152 = arith.addi %mul3A_17, %mul3A_151 : i32
      "tpu.region"() ({
        %run_scoped3A = tpu.sem_alloc : memref<!tpu.dma_semaphore, #tpu.memory_space<semaphore_mem>>
        %dma_start3A_182 = tpu.memref_slice %arg14[%add3A_152] : memref<389120xi32, #tpu.memory_space<vmem_shared>> -> memref<80xi32, #tpu.memory_space<vmem_shared>>
        %dma_start3A_183 = tpu.memref_slice %arg14[%add3A_152] : memref<389120xi32, #tpu.memory_space<vmem_shared>> -> memref<80xi32, #tpu.memory_space<vmem_shared>>
        tpu.enqueue_dma source(%dma_start3A_183 : memref<80xi32, #tpu.memory_space<vmem_shared>>) target(%arg7 : memref<80xi32, #tpu.memory_space<vmem>>) target_semaphore(%run_scoped3A : memref<!tpu.dma_semaphore, #tpu.memory_space<semaphore_mem>>)
        %dma_wait3A_184 = tpu.memref_slice %arg14[%add3A_152] : memref<389120xi32, #tpu.memory_space<vmem_shared>> -> memref<80xi32, #tpu.memory_space<vmem_shared>>
        %dma_wait3A_185 = tpu.memref_slice %arg14[%add3A_152] : memref<389120xi32, #tpu.memory_space<vmem_shared>> -> memref<80xi32, #tpu.memory_space<vmem_shared>>
        tpu.wait_dma2 semaphore(%run_scoped3A : memref<!tpu.dma_semaphore, #tpu.memory_space<semaphore_mem>>) src(%dma_wait3A_185 : memref<80xi32, #tpu.memory_space<vmem_shared>>) dst(%arg7 : memref<80xi32, #tpu.memory_space<vmem>>)
        tpu.yield
      }) : () -> ()
      %dma_start3A_153 = arith.constant 0 : i32
      %dma_start3A_154 = arith.constant 0 : i32
      %dma_start3A_155 = tpu.memref_slice %arg2[%dma_start3A_153, %dma_start3A_154] : memref<10000x128xf32, #tpu.memory_space<hbm>> -> memref<10000x128xf32, #tpu.memory_space<hbm>>
      tpu.enqueue_indirect_dma source(%dma_start3A_155 : memref<10000x128xf32, #tpu.memory_space<hbm>>) target(%arg11 : memref<80x128xf32, #tpu.memory_space<vmem>>) offsets(%arg7 : memref<80xi32, #tpu.memory_space<vmem>>) semaphore(%arg16 : memref<!tpu.dma_semaphore, #tpu.memory_space<semaphore_mem>>)
      %add3A_156 = arith.constant 12160 : i32
      %add3A_157 = arith.addi %mul3A_17, %add3A_156 : i32
      %mul3A_158 = arith.constant 80 : i32
      %mul3A_159 = arith.muli %add3A_149, %mul3A_158 : i32
      %add3A_160 = arith.addi %add3A_157, %mul3A_159 : i32
      "tpu.region"() ({
        %run_scoped3A = tpu.sem_alloc : memref<!tpu.dma_semaphore, #tpu.memory_space<semaphore_mem>>
        %dma_start3A_182 = tpu.memref_slice %arg14[%add3A_160] : memref<389120xi32, #tpu.memory_space<vmem_shared>> -> memref<80xi32, #tpu.memory_space<vmem_shared>>
        %dma_start3A_183 = tpu.memref_slice %arg14[%add3A_160] : memref<389120xi32, #tpu.memory_space<vmem_shared>> -> memref<80xi32, #tpu.memory_space<vmem_shared>>
        tpu.enqueue_dma source(%dma_start3A_183 : memref<80xi32, #tpu.memory_space<vmem_shared>>) target(%arg9 : memref<80xi32, #tpu.memory_space<vmem>>) target_semaphore(%run_scoped3A : memref<!tpu.dma_semaphore, #tpu.memory_space<semaphore_mem>>)
        %dma_wait3A_184 = tpu.memref_slice %arg14[%add3A_160] : memref<389120xi32, #tpu.memory_space<vmem_shared>> -> memref<80xi32, #tpu.memory_space<vmem_shared>>
        %dma_wait3A_185 = tpu.memref_slice %arg14[%add3A_160] : memref<389120xi32, #tpu.memory_space<vmem_shared>> -> memref<80xi32, #tpu.memory_space<vmem_shared>>
        tpu.wait_dma2 semaphore(%run_scoped3A : memref<!tpu.dma_semaphore, #tpu.memory_space<semaphore_mem>>) src(%dma_wait3A_185 : memref<80xi32, #tpu.memory_space<vmem_shared>>) dst(%arg9 : memref<80xi32, #tpu.memory_space<vmem>>)
        tpu.yield
      }) : () -> ()
      %add3A_161 = arith.constant 1 : i32
      %add3A_162 = arith.addi %mul3A_120, %add3A_161 : i32
      %dma_wait3A_163 = arith.constant 0 : i32
      %dma_wait3A_164 = arith.constant 0 : i32
      %dma_wait3A_165 = tpu.memref_slice %arg13[%dma_wait3A_163, %dma_wait3A_164] : memref<10240x128xf32, #tpu.memory_space<vmem_shared>> -> memref<10240x128xf32, #tpu.memory_space<vmem_shared>>
      tpu.wait_indirect_dma semaphore(%arg19 : memref<!tpu.dma_semaphore, #tpu.memory_space<semaphore_mem>>) src(%arg12 : memref<80x128xf32, #tpu.memory_space<vmem>>) dst(%dma_wait3A_165 : memref<10240x128xf32, #tpu.memory_space<vmem_shared>>)
      %add3A_166 = arith.constant 1 : i32
      %add3A_167 = arith.addi %mul3A_120, %add3A_166 : i32
      %add3A_168 = arith.constant 2 : i32
      %add3A_169 = arith.addi %add3A_167, %add3A_168 : i32
      %mul3A_170 = arith.constant 80 : i32
      %mul3A_171 = arith.muli %add3A_169, %mul3A_170 : i32
      %add3A_172 = arith.addi %mul3A_17, %mul3A_171 : i32
      "tpu.region"() ({
        %run_scoped3A = tpu.sem_alloc : memref<!tpu.dma_semaphore, #tpu.memory_space<semaphore_mem>>
        %dma_start3A_182 = tpu.memref_slice %arg14[%add3A_172] : memref<389120xi32, #tpu.memory_space<vmem_shared>> -> memref<80xi32, #tpu.memory_space<vmem_shared>>
        %dma_start3A_183 = tpu.memref_slice %arg14[%add3A_172] : memref<389120xi32, #tpu.memory_space<vmem_shared>> -> memref<80xi32, #tpu.memory_space<vmem_shared>>
        tpu.enqueue_dma source(%dma_start3A_183 : memref<80xi32, #tpu.memory_space<vmem_shared>>) target(%arg8 : memref<80xi32, #tpu.memory_space<vmem>>) target_semaphore(%run_scoped3A : memref<!tpu.dma_semaphore, #tpu.memory_space<semaphore_mem>>)
        %dma_wait3A_184 = tpu.memref_slice %arg14[%add3A_172] : memref<389120xi32, #tpu.memory_space<vmem_shared>> -> memref<80xi32, #tpu.memory_space<vmem_shared>>
        %dma_wait3A_185 = tpu.memref_slice %arg14[%add3A_172] : memref<389120xi32, #tpu.memory_space<vmem_shared>> -> memref<80xi32, #tpu.memory_space<vmem_shared>>
        tpu.wait_dma2 semaphore(%run_scoped3A : memref<!tpu.dma_semaphore, #tpu.memory_space<semaphore_mem>>) src(%dma_wait3A_185 : memref<80xi32, #tpu.memory_space<vmem_shared>>) dst(%arg8 : memref<80xi32, #tpu.memory_space<vmem>>)
        tpu.yield
      }) : () -> ()
      %dma_start3A_173 = arith.constant 0 : i32
      %dma_start3A_174 = arith.constant 0 : i32
      %dma_start3A_175 = tpu.memref_slice %arg2[%dma_start3A_173, %dma_start3A_174] : memref<10000x128xf32, #tpu.memory_space<hbm>> -> memref<10000x128xf32, #tpu.memory_space<hbm>>
      tpu.enqueue_indirect_dma source(%dma_start3A_175 : memref<10000x128xf32, #tpu.memory_space<hbm>>) target(%arg12 : memref<80x128xf32, #tpu.memory_space<vmem>>) offsets(%arg8 : memref<80xi32, #tpu.memory_space<vmem>>) semaphore(%arg17 : memref<!tpu.dma_semaphore, #tpu.memory_space<semaphore_mem>>)
      %add3A_176 = arith.constant 12160 : i32
      %add3A_177 = arith.addi %mul3A_17, %add3A_176 : i32
      %mul3A_178 = arith.constant 80 : i32
      %mul3A_179 = arith.muli %add3A_169, %mul3A_178 : i32
      %add3A_180 = arith.addi %add3A_177, %mul3A_179 : i32
      "tpu.region"() ({
        %run_scoped3A = tpu.sem_alloc : memref<!tpu.dma_semaphore, #tpu.memory_space<semaphore_mem>>
        %dma_start3A_182 = tpu.memref_slice %arg14[%add3A_180] : memref<389120xi32, #tpu.memory_space<vmem_shared>> -> memref<80xi32, #tpu.memory_space<vmem_shared>>
        %dma_start3A_183 = tpu.memref_slice %arg14[%add3A_180] : memref<389120xi32, #tpu.memory_space<vmem_shared>> -> memref<80xi32, #tpu.memory_space<vmem_shared>>
        tpu.enqueue_dma source(%dma_start3A_183 : memref<80xi32, #tpu.memory_space<vmem_shared>>) target(%arg10 : memref<80xi32, #tpu.memory_space<vmem>>) target_semaphore(%run_scoped3A : memref<!tpu.dma_semaphore, #tpu.memory_space<semaphore_mem>>)
        %dma_wait3A_184 = tpu.memref_slice %arg14[%add3A_180] : memref<389120xi32, #tpu.memory_space<vmem_shared>> -> memref<80xi32, #tpu.memory_space<vmem_shared>>
        %dma_wait3A_185 = tpu.memref_slice %arg14[%add3A_180] : memref<389120xi32, #tpu.memory_space<vmem_shared>> -> memref<80xi32, #tpu.memory_space<vmem_shared>>
        tpu.wait_dma2 semaphore(%run_scoped3A : memref<!tpu.dma_semaphore, #tpu.memory_space<semaphore_mem>>) src(%dma_wait3A_185 : memref<80xi32, #tpu.memory_space<vmem_shared>>) dst(%arg10 : memref<80xi32, #tpu.memory_space<vmem>>)
        tpu.yield
      }) : () -> ()
      %while3A_181 = arith.constant 0 : i32
      scf.yield %while3A_181 : i32
    }
    %while3A_81 = arith.constant 1 : i32
    %while3A_82 = scf.for %while3A_117 = %while3A_78 to %while3A_74 step %while3A_81 iter_args(%while3A_118 = %while3A_80) -> (i32)  : i32 {
      %mul3A_119 = arith.constant 2 : i32
      %mul3A_120 = arith.muli %while3A_117, %mul3A_119 : i32
      %add3A_121 = arith.constant 0 : i32
      %add3A_122 = arith.addi %mul3A_120, %add3A_121 : i32
      %dma_wait3A_123 = arith.constant 0 : i32
      %dma_wait3A_124 = arith.constant 0 : i32
      %dma_wait3A_125 = tpu.memref_slice %arg2[%dma_wait3A_123, %dma_wait3A_124] : memref<10000x128xf32, #tpu.memory_space<hbm>> -> memref<10000x128xf32, #tpu.memory_space<hbm>>
      tpu.wait_indirect_dma semaphore(%arg16 : memref<!tpu.dma_semaphore, #tpu.memory_space<semaphore_mem>>) src(%dma_wait3A_125 : memref<10000x128xf32, #tpu.memory_space<hbm>>) dst(%arg11 : memref<80x128xf32, #tpu.memory_space<vmem>>)
      %add3A_126 = arith.constant 0 : i32
      %add3A_127 = arith.addi %mul3A_120, %add3A_126 : i32
      %dma_start3A_128 = arith.constant 0 : i32
      %dma_start3A_129 = arith.constant 0 : i32
      %dma_start3A_130 = tpu.memref_slice %arg13[%dma_start3A_128, %dma_start3A_129] : memref<10240x128xf32, #tpu.memory_space<vmem_shared>> -> memref<10240x128xf32, #tpu.memory_space<vmem_shared>>
      tpu.enqueue_indirect_dma source(%arg11 : memref<80x128xf32, #tpu.memory_space<vmem>>) target(%dma_start3A_130 : memref<10240x128xf32, #tpu.memory_space<vmem_shared>>) offsets(%arg9 : memref<80xi32, #tpu.memory_space<vmem>>) semaphore(%arg18 : memref<!tpu.dma_semaphore, #tpu.memory_space<semaphore_mem>>) {add = true}
      %add3A_131 = arith.constant 1 : i32
      %add3A_132 = arith.addi %mul3A_120, %add3A_131 : i32
      %dma_wait3A_133 = arith.constant 0 : i32
      %dma_wait3A_134 = arith.constant 0 : i32
      %dma_wait3A_135 = tpu.memref_slice %arg2[%dma_wait3A_133, %dma_wait3A_134] : memref<10000x128xf32, #tpu.memory_space<hbm>> -> memref<10000x128xf32, #tpu.memory_space<hbm>>
      tpu.wait_indirect_dma semaphore(%arg17 : memref<!tpu.dma_semaphore, #tpu.memory_space<semaphore_mem>>) src(%dma_wait3A_135 : memref<10000x128xf32, #tpu.memory_space<hbm>>) dst(%arg12 : memref<80x128xf32, #tpu.memory_space<vmem>>)
      %add3A_136 = arith.constant 1 : i32
      %add3A_137 = arith.addi %mul3A_120, %add3A_136 : i32
      %dma_start3A_138 = arith.constant 0 : i32
      %dma_start3A_139 = arith.constant 0 : i32
      %dma_start3A_140 = tpu.memref_slice %arg13[%dma_start3A_138, %dma_start3A_139] : memref<10240x128xf32, #tpu.memory_space<vmem_shared>> -> memref<10240x128xf32, #tpu.memory_space<vmem_shared>>
      tpu.enqueue_indirect_dma source(%arg12 : memref<80x128xf32, #tpu.memory_space<vmem>>) target(%dma_start3A_140 : memref<10240x128xf32, #tpu.memory_space<vmem_shared>>) offsets(%arg10 : memref<80xi32, #tpu.memory_space<vmem>>) semaphore(%arg19 : memref<!tpu.dma_semaphore, #tpu.memory_space<semaphore_mem>>) {add = true}
      %add3A_141 = arith.constant 0 : i32
      %add3A_142 = arith.addi %mul3A_120, %add3A_141 : i32
      %dma_wait3A_143 = arith.constant 0 : i32
      %dma_wait3A_144 = arith.constant 0 : i32
      %dma_wait3A_145 = tpu.memref_slice %arg13[%dma_wait3A_143, %dma_wait3A_144] : memref<10240x128xf32, #tpu.memory_space<vmem_shared>> -> memref<10240x128xf32, #tpu.memory_space<vmem_shared>>
      tpu.wait_indirect_dma semaphore(%arg18 : memref<!tpu.dma_semaphore, #tpu.memory_space<semaphore_mem>>) src(%arg11 : memref<80x128xf32, #tpu.memory_space<vmem>>) dst(%dma_wait3A_145 : memref<10240x128xf32, #tpu.memory_space<vmem_shared>>)
      %add3A_146 = arith.constant 0 : i32
      %add3A_147 = arith.addi %mul3A_120, %add3A_146 : i32
      %add3A_148 = arith.constant 2 : i32
      %add3A_149 = arith.addi %add3A_147, %add3A_148 : i32
      %mul3A_150 = arith.constant 80 : i32
      %mul3A_151 = arith.muli %add3A_149, %mul3A_150 : i32
      %add3A_152 = arith.addi %mul3A_17, %mul3A_151 : i32
      "tpu.region"() ({
        %run_scoped3A = tpu.sem_alloc : memref<!tpu.dma_semaphore, #tpu.memory_space<semaphore_mem>>
        %dma_start3A_182 = tpu.memref_slice %arg14[%add3A_152] : memref<389120xi32, #tpu.memory_space<vmem_shared>> -> memref<80xi32, #tpu.memory_space<vmem_shared>>
        %dma_start3A_183 = tpu.memref_slice %arg14[%add3A_152] : memref<389120xi32, #tpu.memory_space<vmem_shared>> -> memref<80xi32, #tpu.memory_space<vmem_shared>>
        tpu.enqueue_dma source(%dma_start3A_183 : memref<80xi32, #tpu.memory_space<vmem_shared>>) target(%arg7 : memref<80xi32, #tpu.memory_space<vmem>>) target_semaphore(%run_scoped3A : memref<!tpu.dma_semaphore, #tpu.memory_space<semaphore_mem>>)
        %dma_wait3A_184 = tpu.memref_slice %arg14[%add3A_152] : memref<389120xi32, #tpu.memory_space<vmem_shared>> -> memref<80xi32, #tpu.memory_space<vmem_shared>>
        %dma_wait3A_185 = tpu.memref_slice %arg14[%add3A_152] : memref<389120xi32, #tpu.memory_space<vmem_shared>> -> memref<80xi32, #tpu.memory_space<vmem_shared>>
        tpu.wait_dma2 semaphore(%run_scoped3A : memref<!tpu.dma_semaphore, #tpu.memory_space<semaphore_mem>>) src(%dma_wait3A_185 : memref<80xi32, #tpu.memory_space<vmem_shared>>) dst(%arg7 : memref<80xi32, #tpu.memory_space<vmem>>)
        tpu.yield
      }) : () -> ()
      %dma_start3A_153 = arith.constant 0 : i32
      %dma_start3A_154 = arith.constant 0 : i32
      %dma_start3A_155 = tpu.memref_slice %arg2[%dma_start3A_153, %dma_start3A_154] : memref<10000x128xf32, #tpu.memory_space<hbm>> -> memref<10000x128xf32, #tpu.memory_space<hbm>>
      tpu.enqueue_indirect_dma source(%dma_start3A_155 : memref<10000x128xf32, #tpu.memory_space<hbm>>) target(%arg11 : memref<80x128xf32, #tpu.memory_space<vmem>>) offsets(%arg7 : memref<80xi32, #tpu.memory_space<vmem>>) semaphore(%arg16 : memref<!tpu.dma_semaphore, #tpu.memory_space<semaphore_mem>>)
      %add3A_156 = arith.constant 12160 : i32
      %add3A_157 = arith.addi %mul3A_17, %add3A_156 : i32
      %mul3A_158 = arith.constant 80 : i32
      %mul3A_159 = arith.muli %add3A_149, %mul3A_158 : i32
      %add3A_160 = arith.addi %add3A_157, %mul3A_159 : i32
      "tpu.region"() ({
        %run_scoped3A = tpu.sem_alloc : memref<!tpu.dma_semaphore, #tpu.memory_space<semaphore_mem>>
        %dma_start3A_182 = tpu.memref_slice %arg14[%add3A_160] : memref<389120xi32, #tpu.memory_space<vmem_shared>> -> memref<80xi32, #tpu.memory_space<vmem_shared>>
        %dma_start3A_183 = tpu.memref_slice %arg14[%add3A_160] : memref<389120xi32, #tpu.memory_space<vmem_shared>> -> memref<80xi32, #tpu.memory_space<vmem_shared>>
        tpu.enqueue_dma source(%dma_start3A_183 : memref<80xi32, #tpu.memory_space<vmem_shared>>) target(%arg9 : memref<80xi32, #tpu.memory_space<vmem>>) target_semaphore(%run_scoped3A : memref<!tpu.dma_semaphore, #tpu.memory_space<semaphore_mem>>)
        %dma_wait3A_184 = tpu.memref_slice %arg14[%add3A_160] : memref<389120xi32, #tpu.memory_space<vmem_shared>> -> memref<80xi32, #tpu.memory_space<vmem_shared>>
        %dma_wait3A_185 = tpu.memref_slice %arg14[%add3A_160] : memref<389120xi32, #tpu.memory_space<vmem_shared>> -> memref<80xi32, #tpu.memory_space<vmem_shared>>
        tpu.wait_dma2 semaphore(%run_scoped3A : memref<!tpu.dma_semaphore, #tpu.memory_space<semaphore_mem>>) src(%dma_wait3A_185 : memref<80xi32, #tpu.memory_space<vmem_shared>>) dst(%arg9 : memref<80xi32, #tpu.memory_space<vmem>>)
        tpu.yield
      }) : () -> ()
      %add3A_161 = arith.constant 1 : i32
      %add3A_162 = arith.addi %mul3A_120, %add3A_161 : i32
      %dma_wait3A_163 = arith.constant 0 : i32
      %dma_wait3A_164 = arith.constant 0 : i32
      %dma_wait3A_165 = tpu.memref_slice %arg13[%dma_wait3A_163, %dma_wait3A_164] : memref<10240x128xf32, #tpu.memory_space<vmem_shared>> -> memref<10240x128xf32, #tpu.memory_space<vmem_shared>>
      tpu.wait_indirect_dma semaphore(%arg19 : memref<!tpu.dma_semaphore, #tpu.memory_space<semaphore_mem>>) src(%arg12 : memref<80x128xf32, #tpu.memory_space<vmem>>) dst(%dma_wait3A_165 : memref<10240x128xf32, #tpu.memory_space<vmem_shared>>)
      %add3A_166 = arith.constant 1 : i32
      %add3A_167 = arith.addi %mul3A_120, %add3A_166 : i32
      %add3A_168 = arith.constant 2 : i32
      %add3A_169 = arith.addi %add3A_167, %add3A_168 : i32
      %mul3A_170 = arith.constant 80 : i32
      %mul3A_171 = arith.muli %add3A_169, %mul3A_170 : i32
      %add3A_172 = arith.addi %mul3A_17, %mul3A_171 : i32
      "tpu.region"() ({
        %run_scoped3A = tpu.sem_alloc : memref<!tpu.dma_semaphore, #tpu.memory_space<semaphore_mem>>
        %dma_start3A_182 = tpu.memref_slice %arg14[%add3A_172] : memref<389120xi32, #tpu.memory_space<vmem_shared>> -> memref<80xi32, #tpu.memory_space<vmem_shared>>
        %dma_start3A_183 = tpu.memref_slice %arg14[%add3A_172] : memref<389120xi32, #tpu.memory_space<vmem_shared>> -> memref<80xi32, #tpu.memory_space<vmem_shared>>
        tpu.enqueue_dma source(%dma_start3A_183 : memref<80xi32, #tpu.memory_space<vmem_shared>>) target(%arg8 : memref<80xi32, #tpu.memory_space<vmem>>) target_semaphore(%run_scoped3A : memref<!tpu.dma_semaphore, #tpu.memory_space<semaphore_mem>>)
        %dma_wait3A_184 = tpu.memref_slice %arg14[%add3A_172] : memref<389120xi32, #tpu.memory_space<vmem_shared>> -> memref<80xi32, #tpu.memory_space<vmem_shared>>
        %dma_wait3A_185 = tpu.memref_slice %arg14[%add3A_172] : memref<389120xi32, #tpu.memory_space<vmem_shared>> -> memref<80xi32, #tpu.memory_space<vmem_shared>>
        tpu.wait_dma2 semaphore(%run_scoped3A : memref<!tpu.dma_semaphore, #tpu.memory_space<semaphore_mem>>) src(%dma_wait3A_185 : memref<80xi32, #tpu.memory_space<vmem_shared>>) dst(%arg8 : memref<80xi32, #tpu.memory_space<vmem>>)
        tpu.yield
      }) : () -> ()
      %dma_start3A_173 = arith.constant 0 : i32
      %dma_start3A_174 = arith.constant 0 : i32
      %dma_start3A_175 = tpu.memref_slice %arg2[%dma_start3A_173, %dma_start3A_174] : memref<10000x128xf32, #tpu.memory_space<hbm>> -> memref<10000x128xf32, #tpu.memory_space<hbm>>
      tpu.enqueue_indirect_dma source(%dma_start3A_175 : memref<10000x128xf32, #tpu.memory_space<hbm>>) target(%arg12 : memref<80x128xf32, #tpu.memory_space<vmem>>) offsets(%arg8 : memref<80xi32, #tpu.memory_space<vmem>>) semaphore(%arg17 : memref<!tpu.dma_semaphore, #tpu.memory_space<semaphore_mem>>)
      %add3A_176 = arith.constant 12160 : i32
      %add3A_177 = arith.addi %mul3A_17, %add3A_176 : i32
      %mul3A_178 = arith.constant 80 : i32
      %mul3A_179 = arith.muli %add3A_169, %mul3A_178 : i32
      %add3A_180 = arith.addi %add3A_177, %mul3A_179 : i32
      "tpu.region"() ({
        %run_scoped3A = tpu.sem_alloc : memref<!tpu.dma_semaphore, #tpu.memory_space<semaphore_mem>>
        %dma_start3A_182 = tpu.memref_slice %arg14[%add3A_180] : memref<389120xi32, #tpu.memory_space<vmem_shared>> -> memref<80xi32, #tpu.memory_space<vmem_shared>>
        %dma_start3A_183 = tpu.memref_slice %arg14[%add3A_180] : memref<389120xi32, #tpu.memory_space<vmem_shared>> -> memref<80xi32, #tpu.memory_space<vmem_shared>>
        tpu.enqueue_dma source(%dma_start3A_183 : memref<80xi32, #tpu.memory_space<vmem_shared>>) target(%arg10 : memref<80xi32, #tpu.memory_space<vmem>>) target_semaphore(%run_scoped3A : memref<!tpu.dma_semaphore, #tpu.memory_space<semaphore_mem>>)
        %dma_wait3A_184 = tpu.memref_slice %arg14[%add3A_180] : memref<389120xi32, #tpu.memory_space<vmem_shared>> -> memref<80xi32, #tpu.memory_space<vmem_shared>>
        %dma_wait3A_185 = tpu.memref_slice %arg14[%add3A_180] : memref<389120xi32, #tpu.memory_space<vmem_shared>> -> memref<80xi32, #tpu.memory_space<vmem_shared>>
        tpu.wait_dma2 semaphore(%run_scoped3A : memref<!tpu.dma_semaphore, #tpu.memory_space<semaphore_mem>>) src(%dma_wait3A_185 : memref<80xi32, #tpu.memory_space<vmem_shared>>) dst(%arg10 : memref<80xi32, #tpu.memory_space<vmem>>)
        tpu.yield
      }) : () -> ()
      %while3A_181 = arith.constant 0 : i32
      scf.yield %while3A_181 : i32
    }
    %sub3A_83 = arith.constant 1 : i32
    %sub3A_84 = arith.subi %select_n3A_68, %sub3A_83 : i32
    %mul3A_85 = arith.constant 2 : i32
    %mul3A_86 = arith.muli %sub3A_84, %mul3A_85 : i32
    %add3A_87 = arith.constant 0 : i32
    %add3A_88 = arith.addi %mul3A_86, %add3A_87 : i32
    %dma_wait3A = arith.constant 0 : i32
    %dma_wait3A_89 = arith.constant 0 : i32
    %dma_wait3A_90 = tpu.memref_slice %arg2[%dma_wait3A, %dma_wait3A_89] : memref<10000x128xf32, #tpu.memory_space<hbm>> -> memref<10000x128xf32, #tpu.memory_space<hbm>>
    tpu.wait_indirect_dma semaphore(%arg16 : memref<!tpu.dma_semaphore, #tpu.memory_space<semaphore_mem>>) src(%dma_wait3A_90 : memref<10000x128xf32, #tpu.memory_space<hbm>>) dst(%arg11 : memref<80x128xf32, #tpu.memory_space<vmem>>)
    %add3A_91 = arith.constant 0 : i32
    %add3A_92 = arith.addi %mul3A_86, %add3A_91 : i32
    %dma_start3A_93 = arith.constant 0 : i32
    %dma_start3A_94 = arith.constant 0 : i32
    %dma_start3A_95 = tpu.memref_slice %arg13[%dma_start3A_93, %dma_start3A_94] : memref<10240x128xf32, #tpu.memory_space<vmem_shared>> -> memref<10240x128xf32, #tpu.memory_space<vmem_shared>>
    tpu.enqueue_indirect_dma source(%arg11 : memref<80x128xf32, #tpu.memory_space<vmem>>) target(%dma_start3A_95 : memref<10240x128xf32, #tpu.memory_space<vmem_shared>>) offsets(%arg9 : memref<80xi32, #tpu.memory_space<vmem>>) semaphore(%arg18 : memref<!tpu.dma_semaphore, #tpu.memory_space<semaphore_mem>>) {add = true}
    %add3A_96 = arith.constant 1 : i32
    %add3A_97 = arith.addi %mul3A_86, %add3A_96 : i32
    %dma_wait3A_98 = arith.constant 0 : i32
    %dma_wait3A_99 = arith.constant 0 : i32
    %dma_wait3A_100 = tpu.memref_slice %arg2[%dma_wait3A_98, %dma_wait3A_99] : memref<10000x128xf32, #tpu.memory_space<hbm>> -> memref<10000x128xf32, #tpu.memory_space<hbm>>
    tpu.wait_indirect_dma semaphore(%arg17 : memref<!tpu.dma_semaphore, #tpu.memory_space<semaphore_mem>>) src(%dma_wait3A_100 : memref<10000x128xf32, #tpu.memory_space<hbm>>) dst(%arg12 : memref<80x128xf32, #tpu.memory_space<vmem>>)
    %add3A_101 = arith.constant 1 : i32
    %add3A_102 = arith.addi %mul3A_86, %add3A_101 : i32
    %dma_start3A_103 = arith.constant 0 : i32
    %dma_start3A_104 = arith.constant 0 : i32
    %dma_start3A_105 = tpu.memref_slice %arg13[%dma_start3A_103, %dma_start3A_104] : memref<10240x128xf32, #tpu.memory_space<vmem_shared>> -> memref<10240x128xf32, #tpu.memory_space<vmem_shared>>
    tpu.enqueue_indirect_dma source(%arg12 : memref<80x128xf32, #tpu.memory_space<vmem>>) target(%dma_start3A_105 : memref<10240x128xf32, #tpu.memory_space<vmem_shared>>) offsets(%arg10 : memref<80xi32, #tpu.memory_space<vmem>>) semaphore(%arg19 : memref<!tpu.dma_semaphore, #tpu.memory_space<semaphore_mem>>) {add = true}
    %add3A_106 = arith.constant 0 : i32
    %add3A_107 = arith.addi %mul3A_86, %add3A_106 : i32
    %dma_wait3A_108 = arith.constant 0 : i32
    %dma_wait3A_109 = arith.constant 0 : i32
    %dma_wait3A_110 = tpu.memref_slice %arg13[%dma_wait3A_108, %dma_wait3A_109] : memref<10240x128xf32, #tpu.memory_space<vmem_shared>> -> memref<10240x128xf32, #tpu.memory_space<vmem_shared>>
    tpu.wait_indirect_dma semaphore(%arg18 : memref<!tpu.dma_semaphore, #tpu.memory_space<semaphore_mem>>) src(%arg11 : memref<80x128xf32, #tpu.memory_space<vmem>>) dst(%dma_wait3A_110 : memref<10240x128xf32, #tpu.memory_space<vmem_shared>>)
    %add3A_111 = arith.constant 1 : i32
    %add3A_112 = arith.addi %mul3A_86, %add3A_111 : i32
    %dma_wait3A_113 = arith.constant 0 : i32
    %dma_wait3A_114 = arith.constant 0 : i32
    %dma_wait3A_115 = tpu.memref_slice %arg13[%dma_wait3A_113, %dma_wait3A_114] : memref<10240x128xf32, #tpu.memory_space<vmem_shared>> -> memref<10240x128xf32, #tpu.memory_space<vmem_shared>>
    tpu.wait_indirect_dma semaphore(%arg19 : memref<!tpu.dma_semaphore, #tpu.memory_space<semaphore_mem>>) src(%arg12 : memref<80x128xf32, #tpu.memory_space<vmem>>) dst(%dma_wait3A_115 : memref<10240x128xf32, #tpu.memory_space<vmem_shared>>)
    %barrier3A_116 = arith.constant 0 : index
    tpu.barrier barrier_id(%barrier3A_116)
    "tpu.region"() ({
      %run_scoped3A = tpu.sem_alloc : memref<!tpu.dma_semaphore, #tpu.memory_space<semaphore_mem>>
      %dma_start3A_117 = arith.constant 0 : i32
      %dma_start3A_118 = tpu.memref_slice %arg6[%arg0, %mul3A_0, %dma_start3A_117] : memref<2x10240x128xf32, #tpu.memory_space<hbm>> -> memref<1x640x128xf32, #tpu.memory_space<hbm>>
      %dma_start3A_119 = tpu.memref_squeeze %dma_start3A_118 : memref<1x640x128xf32, #tpu.memory_space<hbm>> -> memref<640x128xf32, #tpu.memory_space<hbm>>
      %dma_start3A_120 = arith.constant 0 : i32
      %dma_start3A_121 = tpu.memref_slice %arg13[%mul3A_0, %dma_start3A_120] : memref<10240x128xf32, #tpu.memory_space<vmem_shared>> -> memref<640x128xf32, #tpu.memory_space<vmem_shared>>
      tpu.enqueue_dma source(%dma_start3A_121 : memref<640x128xf32, #tpu.memory_space<vmem_shared>>) target(%dma_start3A_119 : memref<640x128xf32, #tpu.memory_space<hbm>>) target_semaphore(%run_scoped3A : memref<!tpu.dma_semaphore, #tpu.memory_space<semaphore_mem>>)
      %dma_wait3A_122 = arith.constant 0 : i32
      %dma_wait3A_123 = tpu.memref_slice %arg6[%arg0, %mul3A_0, %dma_wait3A_122] : memref<2x10240x128xf32, #tpu.memory_space<hbm>> -> memref<1x640x128xf32, #tpu.memory_space<hbm>>
      %dma_wait3A_124 = tpu.memref_squeeze %dma_wait3A_123 : memref<1x640x128xf32, #tpu.memory_space<hbm>> -> memref<640x128xf32, #tpu.memory_space<hbm>>
      %dma_wait3A_125 = arith.constant 0 : i32
      %dma_wait3A_126 = tpu.memref_slice %arg13[%mul3A_0, %dma_wait3A_125] : memref<10240x128xf32, #tpu.memory_space<vmem_shared>> -> memref<640x128xf32, #tpu.memory_space<vmem_shared>>
      tpu.wait_dma2 semaphore(%run_scoped3A : memref<!tpu.dma_semaphore, #tpu.memory_space<semaphore_mem>>) src(%dma_wait3A_126 : memref<640x128xf32, #tpu.memory_space<vmem_shared>>) dst(%dma_wait3A_124 : memref<640x128xf32, #tpu.memory_space<hbm>>)
      tpu.yield
    }) : () -> ()
    return
  }
}

module attributes {stable_mosaic.version = 14 : i64} {
  func.func @body(%arg0: i32, %arg1: memref<1000x128xf32, #tpu.memory_space<vmem>>, %arg2: memref<1000x128xf32, #tpu.memory_space<vmem>>, %arg3: memref<1000x128xf32, #tpu.memory_space<vmem>>, %arg4: memref<128x128xf32, #tpu.memory_space<vmem>>, %arg5: memref<128x128xf32, #tpu.memory_space<vmem>>, %arg6: memref<1x128xf32, #tpu.memory_space<vmem>>, %arg7: memref<1000x128xf32, #tpu.memory_space<vmem>>) attributes {dimension_semantics = [#tpu.dimension_semantics<arbitrary>], iteration_bounds = array<i64: 10>, scalar_prefetch = 0 : i64, scratch_operands = 0 : i64, tpu.core_type = #tpu.core_type<tc>, window_params = [{transform_indices = @transform_0, window_bounds = array<i64: 1000, 128>}, {transform_indices = @transform_1, window_bounds = array<i64: 1000, 128>}, {transform_indices = @transform_2, window_bounds = array<i64: 1000, 128>}, {pipeline_mode = #tpu.pipeline_mode<synchronous>, transform_indices = @transform_3, window_bounds = array<i64: 128, 128>}, {pipeline_mode = #tpu.pipeline_mode<synchronous>, transform_indices = @transform_4, window_bounds = array<i64: 128, 128>}, {pipeline_mode = #tpu.pipeline_mode<synchronous>, transform_indices = @transform_5, window_bounds = array<i64: 1, 128>}, {transform_indices = @transform_6, window_bounds = array<i64: 1000, 128>}]} {
    %get3A = arith.constant 0 : index
    %get3A_0 = arith.constant 0 : index
    %get3A_1 = vector.load %arg1[%get3A, %get3A_0] : memref<1000x128xf32, #tpu.memory_space<vmem>>, vector<1000x128xf32>
    %get3A_2 = arith.constant 0 : index
    %get3A_3 = arith.constant 0 : index
    %get3A_4 = vector.load %arg2[%get3A_2, %get3A_3] : memref<1000x128xf32, #tpu.memory_space<vmem>>, vector<1000x128xf32>
    %add3A = arith.addf %get3A_1, %get3A_4 : vector<1000x128xf32>
    %get3A_5 = arith.constant 0 : index
    %get3A_6 = arith.constant 0 : index
    %get3A_7 = vector.load %arg4[%get3A_5, %get3A_6] : memref<128x128xf32, #tpu.memory_space<vmem>>, vector<128x128xf32>
    %dot_general3A = arith.constant dense<0.000000e+00> : vector<1000x128xf32>
    %dot_general3A_8 = tpu.matmul %add3A, %get3A_7, %dot_general3A {dimension_numbers = #tpu.dot_dimension_numbers<[1], [0], [0], [1], [0, 0, 1, 1], [], []>, transpose_lhs_hint = false} : vector<1000x128xf32>, vector<128x128xf32>, vector<1000x128xf32> -> vector<1000x128xf32>
    %get3A_9 = arith.constant 0 : index
    %get3A_10 = arith.constant 0 : index
    %get3A_11 = vector.load %arg3[%get3A_9, %get3A_10] : memref<1000x128xf32, #tpu.memory_space<vmem>>, vector<1000x128xf32>
    %get3A_12 = arith.constant 0 : index
    %get3A_13 = arith.constant 0 : index
    %get3A_14 = vector.load %arg5[%get3A_12, %get3A_13] : memref<128x128xf32, #tpu.memory_space<vmem>>, vector<128x128xf32>
    %dot_general3A_15 = arith.constant dense<0.000000e+00> : vector<1000x128xf32>
    %dot_general3A_16 = tpu.matmul %get3A_11, %get3A_14, %dot_general3A_15 {dimension_numbers = #tpu.dot_dimension_numbers<[1], [0], [0], [1], [0, 0, 1, 1], [], []>, transpose_lhs_hint = false} : vector<1000x128xf32>, vector<128x128xf32>, vector<1000x128xf32> -> vector<1000x128xf32>
    %add3A_17 = arith.addf %dot_general3A_8, %dot_general3A_16 : vector<1000x128xf32>
    %get3A_18 = arith.constant 0 : index
    %get3A_19 = arith.constant 0 : index
    %get3A_20 = vector.load %arg6[%get3A_18, %get3A_19] : memref<1x128xf32, #tpu.memory_space<vmem>>, vector<1x128xf32>
    %add3A_21 = vector.broadcast %get3A_20 : vector<1x128xf32> to vector<1000x128xf32>
    %add3A_22 = arith.addf %add3A_17, %add3A_21 : vector<1000x128xf32>
    %swap3A = arith.constant 0 : index
    %swap3A_23 = arith.constant 0 : index
    %swap3A_24 = vector.load %arg7[%swap3A, %swap3A_23] : memref<1000x128xf32, #tpu.memory_space<vmem>>, vector<1000x128xf32>
    tpu.vector_store %arg7[%swap3A, %swap3A_23], %add3A_22 {strides = array<i32>} : memref<1000x128xf32, #tpu.memory_space<vmem>>, vector<1000x128xf32>,
    return
  }
  func.func @transform_0(%arg0: i32) -> (i32, i32) {
    %c0_i32 = arith.constant 0 : i32
    %c0_i32_0 = arith.constant 0 : i32
    return %arg0, %c0_i32 : i32, i32
  }
  func.func @transform_1(%arg0: i32) -> (i32, i32) {
    %c0_i32 = arith.constant 0 : i32
    %c0_i32_0 = arith.constant 0 : i32
    return %arg0, %c0_i32 : i32, i32
  }
  func.func @transform_2(%arg0: i32) -> (i32, i32) {
    %c0_i32 = arith.constant 0 : i32
    %c0_i32_0 = arith.constant 0 : i32
    return %arg0, %c0_i32 : i32, i32
  }
  func.func @transform_3(%arg0: i32) -> (i32, i32) {
    %c0_i32 = arith.constant 0 : i32
    %c0_i32_0 = arith.constant 0 : i32
    %c0_i32_1 = arith.constant 0 : i32
    return %c0_i32, %c0_i32_0 : i32, i32
  }
  func.func @transform_4(%arg0: i32) -> (i32, i32) {
    %c0_i32 = arith.constant 0 : i32
    %c0_i32_0 = arith.constant 0 : i32
    %c0_i32_1 = arith.constant 0 : i32
    return %c0_i32, %c0_i32_0 : i32, i32
  }
  func.func @transform_5(%arg0: i32) -> (i32, i32) {
    %c0_i32 = arith.constant 0 : i32
    %c0_i32_0 = arith.constant 0 : i32
    %c0_i32_1 = arith.constant 0 : i32
    return %c0_i32, %c0_i32_0 : i32, i32
  }
  func.func @transform_6(%arg0: i32) -> (i32, i32) {
    %c0_i32 = arith.constant 0 : i32
    %c0_i32_0 = arith.constant 0 : i32
    return %arg0, %c0_i32 : i32, i32
  }
}

</mosaic_0001>

<sc_bundles>
// kernel: kernel.4.cloned.1.call-start
scs
__scs_entry_jumppad:
0x0: {  	(pc) =	sbr.rel $0x88, $3  }
0x1: {  	(tag) =	ssettag $0x0;
	lr =	simm.s32 $0x1  }
0x2: {  	[smem:$0x3F9C] =	sst lr;
	_ =	strace $0xD0000000  }
0x3: {  	_ = 	snop  }
0x4: {  	_ = 	snop  }
0x5: {  	_ = 	snop  }
0x6: {  	_ = 	snop  }
0x7: {  	_ = 	snop  }
__scs_overlays_trampoline_lowered:
0x8: {  	[smem:$0x3FAB] =	sst s0  }
0x9: {  	[smem:$0x3FAC] =	sst s1  }
0xa: {  	[smem:$0x3FAD] =	sst s2  }
0xb: {  	[smem:$0x3FAE] =	sst s3  }
0xc: {  	[smem:$0x3FAF] =	sst s4  }
0xd: {  	[smem:$0x3FB0] =	sst s5  }
0xe: {  	[smem:$0x3FB1] =	sst s6  }
0xf: {  	[smem:$0x3FB2] =	sst s7  }
0x10: {  	[smem:$0x3FB3] =	sst s8  }
0x11: {  	[smem:$0x3FB4] =	sst s9;
	s0 =	simm.s32 @!p0 $0x0  }
0x12: {  	s1 =	sld [smem:$0x3F9A];
	s0 =	simm.s32 @p0 $0x1  }
0x13: {  	[smem:$0x3FB5] =	sst s0;
	s0 =	simm.s32 @!p1 $0x0  }
0x14: {  	s2 =	sld [smem:$0x3F99];
	s0 =	simm.s32 @p1 $0x1  }
0x15: {  	[smem:$0x3FB6] =	sst s0;
	s0 =	simm.s32 @!p2 $0x0  }
0x16: {  	s3 =	sld [smem:$0x3FDB];
	s0 =	simm.s32 @p2 $0x1  }
0x17: {  	s4 =	simm.s32 $0x1BF5;
	[smem:$0x3FB8] =	sst s0  }
0x18: {  	s0 =	sld [smem:$0x3F9B];
	_ =	swait.ge [sflag:s4], $0x0  }
0x19: {  	s7 =	sld [smem:$0x3F9C]  }
0x1a: {  	s8 =	sadd.s32 $0xFFFFE003, lr  }
0x1b: {  	s9 =	sadd.s32 $0xFFFFFEF7, lr;
	s5 =	simm.s32 $0xFFFFFFFF;
	p2 =	slt.u32 s8, $0xFFFFF086  }
0x1c: {  	p1 =	slt.u32 s9, $0xF7A;
	s5 =	simm.s32 @!p2 $0x0  }
0x1d: {  	s5 =	simm.s32 @p1 $0x1;
	p0 =	seq.s32 s7, s2  }
0x1e: {  	s7 =	smul.u32 @!p0 $0xF7A, s2;
	p2 =	seq.s32 @!p0 s5, $0x0  }
0x1f: {  	s9 =	smul.u32 $0xF7A, s1;
	s8 =	simm.s32 @!p0 $0x1BF5;
	p2 =	por !p2, p0  }
0x20: {  	[sflag:s8] =	ssyncset.s32 @!p0 $0xFFFFF086;
	s6 =	sadd.s32 @!p0 s3, s7;
	s7 =	simm.s32 @!p0 $0x108  }
0x21: {  	s3 =	sadd.s32 s3, s9;
	s6 =	sadd.s32 @!p0 $0x88, s6;
	s7 =	simm.s32 @p2 $0x1082  }
0x22: {  	[simem:s7], [sflag:s8] =	dma.local @!p0 [hbm:s6], $0xF7A  }
0x23: {  	s9 =	sor.u32 $0xD0000000, s2;
	s6 =	simm.s32 $0x108;
	_ =	swait.ge @!p0 [sflag:s8], $0x0  }
0x24: {  	s3 =	sadd.s32 $0x88, s3;
	s6 =	simm.s32 @!p1 $0x1082;
	[sflag:s4] =	ssyncset.s32 $0xFFFFF086  }
0x25: {  	[simem:s6], [sflag:s4] =	dma.local [hbm:s3], $0xF7A  }
0x26: {  	[smem:$0x3F9C] =	sst s1;
	(tag) =	ssettag s2;
	_ =	strace s9  }
0x27: {  	s1 =	sld [smem:$0x3FAC]  }
0x28: {  	s2 =	sld [smem:$0x3FAD]  }
0x29: {  	s4 =	sld [smem:$0x3FAF]  }
0x2a: {  	p0 =	seq.s32 s5, $0x0;
	s5 =	sld [smem:$0x3FB0]  }
0x2b: {  	s6 =	sld [smem:$0x3FB1]  }
0x2c: {  	s7 =	sld [smem:$0x3FB2]  }
0x2d: {  	s3 =	simm.s32 $0x108;
	s8 =	sld [smem:$0x3FB3]  }
0x2e: {  	s3 =	simm.s32 @!p0 $0x1082;
	s9 =	sld [smem:$0x3FB4]  }
0x2f: {  	lr =	sadd.s32 s0, s3;
	s0 =	sld [smem:$0x3FAB]  }
0x30: {  	s3 =	sld [smem:$0x3FAE]  }
0x31: {  	[smem:$0x3FB7] =	sst s10  }
0x32: {  	s10 =	sld [smem:$0x3FB5];
	_ =	sdelay $0x3  }
0x33: {  	p0 =	seq.s32 s10, $0x1;
	s10 =	sld [smem:$0x3FB7];
	_ =	sdelay $0x3  }
0x34: {  	[smem:$0x3FB7] =	sst s10  }
0x35: {  	s10 =	sld [smem:$0x3FB6];
	_ =	sdelay $0x3  }
0x36: {  	p1 =	seq.s32 s10, $0x1;
	s10 =	sld [smem:$0x3FB7];
	_ =	sdelay $0x3  }
0x37: {  	[smem:$0x3FB7] =	sst s10  }
0x38: {  	s10 =	sld [smem:$0x3FB8]  }
0x39: {  	_ = 	snop;
	(pc) =	sbr.ind lr, $3  }
0x3a: {  	_ = 	snop  }
0x3b: {  	_ = 	snop  }
0x3c: {  	p2 =	seq.s32 s10, $0x1;
	s10 =	sld [smem:$0x3FB7]  }
0x3d: {  	_ =	shalt  }
0x3e: {  	_ =	shalt  }
0x3f: {  	_ =	shalt  }
0x40: {  	_ =	shalt  }
0x41: {  	_ =	shalt  }
0x42: {  	_ =	shalt  }
0x43: {  	_ =	shalt  }
0x44: {  	_ =	shalt  }
0x45: {  	_ =	shalt  }
0x46: {  	_ =	shalt  }
0x47: {  	_ =	shalt  }
0x48: {  	_ =	shalt  }
0x49: {  	_ =	shalt  }
0x4a: {  	_ =	shalt  }
0x4b: {  	_ =	shalt  }
0x4c: {  	_ =	shalt  }
0x4d: {  	_ =	shalt  }
0x4e: {  	_ =	shalt  }
0x4f: {  	_ =	shalt  }
0x50: {  	_ =	shalt  }
0x51: {  	_ =	shalt  }
0x52: {  	_ =	shalt  }
0x53: {  	_ =	shalt  }
0x54: {  	_ =	shalt  }
0x55: {  	_ =	shalt  }
0x56: {  	_ =	shalt  }
0x57: {  	_ =	shalt  }
0x58: {  	_ =	shalt  }
0x59: {  	_ =	shalt  }
0x5a: {  	_ =	shalt  }
0x5b: {  	_ =	shalt  }
0x5c: {  	_ =	shalt  }
0x5d: {  	_ =	shalt  }
0x5e: {  	_ =	shalt  }
0x5f: {  	_ =	shalt  }
0x60: {  	_ =	shalt  }
0x61: {  	_ =	shalt  }
0x62: {  	_ =	shalt  }
0x63: {  	_ =	shalt  }
0x64: {  	_ =	shalt  }
0x65: {  	_ =	shalt  }
0x66: {  	_ =	shalt  }
0x67: {  	_ =	shalt  }
0x68: {  	_ =	shalt  }
0x69: {  	_ =	shalt  }
0x6a: {  	_ =	shalt  }
0x6b: {  	_ =	shalt  }
0x6c: {  	_ =	shalt  }
0x6d: {  	_ =	shalt  }
0x6e: {  	_ =	shalt  }
0x6f: {  	_ =	shalt  }
0x70: {  	_ =	shalt  }
0x71: {  	_ =	shalt  }
0x72: {  	_ =	shalt  }
0x73: {  	_ =	shalt  }
0x74: {  	_ =	shalt  }
0x75: {  	_ =	shalt  }
0x76: {  	_ =	shalt  }
0x77: {  	_ =	shalt  }
0x78: {  	_ =	shalt  }
0x79: {  	_ =	shalt  }
0x7a: {  	_ =	shalt  }
0x7b: {  	_ =	shalt  }
0x7c: {  	_ =	shalt  }
0x7d: {  	_ =	shalt  }
0x7e: {  	_ =	shalt  }
0x7f: {  	_ =	shalt  }
0x80: {  	_ =	shalt  }
0x81: {  	_ =	shalt  }
0x82: {  	_ =	shalt  }
0x83: {  	_ =	shalt  }
0x84: {  	_ =	shalt  }
0x85: {  	_ =	shalt  }
0x86: {  	_ =	shalt  }
0x87: {  	_ =	shalt  }
.Lfunc_end0:
.L_simem_size_0:
called_computation_lowered:
.L_overlay_start_0:
0x88: {  	s2 =	sld [smem:$0x3FD9]  }
0x89: {  	s3 =	sld [smem:$0x3FFE];
	_ =	sdelay $0x1  }
0x8a: {  	s1 =	srdreg.scid  }
0x8b: {  	s0 =	sand.u32 $0x1, s1  }
0x8c: {  	s17 =	sshll.u32 s0, $0xA;
	s2 =	sadd.s32 s3, s2  }
0x8d: {  	s2 =	sadd.s32 s2, s17  }
0x8e: {  	[smem:$0x3FC3] =	sst s2  }
0x8f: {  	_ = 	snop  }
0x90: {  	s2 =	sld [smem:$0x3FC9]  }
0x91: {  	s18 =	sld [smem:$0x3FD0];
	(tm) =	ssettm $0x1  }
0x92: {  	s4 =	sld [smem:$0x3FFB];
	_ =	sdelay $0x3  }
0x93: {  	_ =	strace s4  }
0x94: {  	s4 =	sld [smem:$0x3FFC];
	_ =	sdelay $0x3  }
0x95: {  	_ =	strace s4  }
0x96: {  	s4 =	sld [smem:$0x3FFD];
	_ =	sdelay $0x3  }
0x97: {  	_ =	strace s4  }
0x98: {  	_ =	strace $0x8FFFFFFF  }
0x99: {  	s19 =	sld [smem:$0x3FDB];
	_ =	sdelay $0x1  }
0x9a: {  	s5 =	simm.s32 $_scs_section_size  }
0x9b: {  	s6 =	simm.s32 $_size__tile_overlayer_lowered;
	s7 =	simm.s32 $_tile_overlayer_lowered  }
0x9c: {  	s22 =	simm.s32 $0x1BFF;
	s21 =	sshll.u32 s7, $0x1;
	s4 =	sadd.s32 s5, s19  }
0x9d: {  	s8 =	simm.s32 $0x0;
	s20 =	sshll.u32 s6, $0x1;
	s6 =	sadd.s32 s21, s4  }
0x9e: {  	[timem:s8], [sflag:s22] =	dma.local [hbm:s6], s20  }
0x9f: {  	_ =	swait.ge [sflag:s22], s20  }
0xa0: {  	s5 =	ssub.s32 $0x0, s20;
	[sflag:s22] =	ssyncset.done $0x0  }
0xa1: {  	[sflag:s22] =	ssyncadd.s32 s5;
	_ =	sdelay $0x1  }
0xa2: {  	s23 =	simm.s32 $0x1B8B  }
0xa3: {  	_ =	swait.ge [sflag:s23], $0x1  }
0xa4: {  	[sflag:s23] =	ssyncset.done $0x0  }
0xa5: {  	s25 =	simm.s32 $0x1B8E;
	s24 =	sld [smem:$0x3FFE];
	[sflag:s23] =	ssyncadd.s32 $0xFFFFFFFF  }
0xa6: {  	s26 =	simm.s32 $execute0_lowered;
	[smem:$0x3FD2] =	sst s25  }
0xa7: {  	s6 =	sshll.u32 s26, $0x1;
	_ =	strace $0x80000046;
	[dreg:$0x1] =	wrdreg $0xFFFFFFFF  }
0xa8: {  	s28 =	simm.s32 $_size_execute0_lowered;
	s4 =	sadd.s32 s4, s6;
	[dreg:$0x0] =	wrdreg $0x0  }
0xa9: {  	s6 =	sshll.u32 s28, $0x1;
	[dreg:$0x2] =	wrdreg s4  }
0xaa: {  	[dreg:$0x3] =	wrdreg s6  }
0xab: {  	[dreg:$0x4] =	wrdreg $0xC0  }
0xac: {  	_ =	task [dreg:s8], $0x5FFFF  }
0xad: {  	[dreg:$0x1] =	wrdreg $0xFFFFFFFF  }
0xae: {  	[dreg:$0x0] =	wrdreg $0x60  }
0xaf: {  	[dreg:$0x2] =	wrdreg s2  }
0xb0: {  	[dreg:$0x3] =	wrdreg s18  }
0xb1: {  	[dreg:$0x4] =	wrdreg s24  }
0xb2: {  	[dreg:$0x5] =	wrdreg $0x52000  }
0xb3: {  	[dreg:$0x6] =	wrdreg $0x192000  }
0xb4: {  	[dreg:$0x7] =	wrdreg $0x9  }
0xb5: {  	_ =	task.clear_ibuf [dreg:s8], $0x8FFFF;
	_ =	strace $0x90000046  }
0xb6: {  	s29 =	simm.s32 $0x9;
	_ =	strace $0x80000048  }
0xb7: {  	_ =	swait.ge [sflag:s29], $0x1  }
0xb8: {  	[sflag:s29] =	ssyncadd.s32 $0xFFFFFFFF  }
0xb9: {  	_ =	strace $0x90000048  }
0xba: {  	_ =	sfence  }
0xbb: {  	s30 =	sld [smem:$0x0];
	_ =	sdelay $0x2  }
0xbc: {  	s31 =	sshll.u32 s1, $0xD;
	s1 =	sshrl.u32 s1, $0x2  }
0xbd: {  	s3 =	sand.u32 $0x4000, s31;
	s1 =	sadd.s32 s1, s30  }
0xbe: {  	s0 =	sor.u32 s3, s0;
	s1 =	sshll.u32 s1, $0x11  }
0xbf: {  	s0 =	sor.u32 s1, s0  }
0xc0: {  	s0 =	sadd.s32 $0x8F2B, s0  }
0xc1: {  	[sflag:s0] =	ssyncadd.remote.s32 $0x1  }
0xc2: {  	_ =	sfence.sel $0xFFFF  }
0xc3: {  	[dreg:$0x0] =	wrdreg $0xFFFFFFFF;
	(pc) =	sbr.abs _section_cstart, $3  }
0xc4: {  	[dreg:$0x1] =	wrdreg $0xFFFFFFFF  }
0xc5: {  	_ =	task.clear_ibuf [dreg:s8], $0x2FFFF;
	_ =	strace $0x9FFFFFFF  }
0xc6: {  	(tm) =	ssettm $0x7FFFFFFF  }
0xc7: {  	_ =	shalt  }
tec
execute0_lowered:
.L_overlay_start_1:
0x0: {  	(tag) =	ssettag $0x1  }
0x1: {  	s1 =	rddreg [dreg:$0x0]  }
0x2: {  	s0 =	rddreg [dreg:$0x1]  }
0x3: {  	s3 =	rddreg [dreg:$0x2]  }
0x4: {  	s2 =	rddreg [dreg:$0x3];
	s13 =	stileid.u32  }
0x5: {  	s4 =	srdreg.scid;
	s5 =	smul.u32 $0x2F80, s13  }
0x6: {  	s6 =	rddreg [dreg:$0x4];
	s28 =	simm.s32 $0x180;
	s7 =	smul.u32 $0x1F40, s13  }
0x7: {  	s29 =	simm.s32 $0x1;
	s30 =	simm.s32 $0x2;
	s10 =	smul.u32 $0x14000, s13  }
0x8: {  	s31 =	simm.s32 $0x3;
	s8 =	sand.u32 $0x1, s4;
	s19 =	smul.u32 $0x50000, s13  }
0x9: {  	s4 =	simm.s32 $0x0;
	s11 =	sadd.s32 $0xAA00, s3;
	s12 =	smul.u32 $0x17C00, s13  }
0xa: {  	s22 =	sshll.u32 s13, $0x6;
	s9 =	smul.u32 $0x140000, s8;
	p0 =	seq.s32 s8, $0x0  }
0xb: {  	[smem:$0x7FF] =	sst s4;
	s20 =	ssub.s32 $0x2, s8;
	s14 =	sor.u32 $0x1C05, s22  }
0xc: {  	s8 =	ssub.s32 $0x4, s8;
	s22 =	simm.s32 $0x50;
	s7 =	sadd.s32 $0x2F800, s7  }
0xd: {  	_ =	strace $0x80000047;
	[dreg:$0x6] =	wrdreg s11;
	s21 =	sshrl.u32 s20, $0x1  }
0xe: {  	s12 =	sshrl.u32 s12, $0x2;
	[dreg:$0x7] =	wrdreg s8;
	s7 =	smov.u32 @p0 s5  }
0xf: {  	s17 =	sadd.s32 s10, s9;
	s10 =	sshrl.u32 s19, $0x2;
	s11 =	ssub.s32 s20, s21  }
0x10: {  	s6 =	sadd.s32 s12, s6;
	s12 =	simm.s32 $0x4B;
	s20 =	simm.s32 $0x5  }
0x11: {  	s21 =	simm.s32 $0x1F100;
	s5 =	sshrl.u32 s7, $0x3;
	s7 =	sshrl.u32 s17, $0x3  }
0x12: {  	s10 =	sadd.s32 s10, s2;
	s15 =	sadd.s32 $0x2F80, s6;
	s23 =	sadd.s32 $0x50, s6  }
0x13: {  	s24 =	sadd.s32 $0x2FD0, s6;
	s12 =	simm.s32 @!p0 $0x31;
	[dreg:$0x8] =	wrdreg s6  }
0x14: {  	s25 =	smax.u32 s11, $0x1;
	s11 =	sadd.s32 $0x3070, s6;
	[dreg:$0x9] =	wrdreg s23  }
0x15: {  	s18 =	sadd.s32 s5, s3;
	s3 =	sadd.s32 s7, s3;
	[dreg:$0xa] =	wrdreg s24  }
0x16: {  	s7 =	simm.s32 $0x2F80;
	[dreg:$0xc] =	wrdreg s25;
	s13 =	sadd.s32 s5, s0  }
0x17: {  	s6 =	sshrl.u32 s10, $0x3;
	s23 =	simm.s32 $0x200;
	s24 =	simm.s32 $0x100  }
0x18: {  	s25 =	simm.s32 $0x80;
	s0 =	simm.s32 $0x0;
	s3 =	sadd.s32 $0xD200, s3  }
0x19: {  	s7 =	simm.s32 @!p0 $0x1F40;
	s26 =	sadd.s32 $0xC00, s18;
	[dreg:$0xb] =	wrdreg s3  }
0x1a: {  	[dreg:$0xd] =	wrdreg s26;
	s26 =	simm.s32 $0x2A00;
	s3 =	simm.s32 $0x4  }
.LBB2_1:
0x1b: {  	s5 =	rddreg [dreg:$0x6]  }
0x1c: {  	[spmem:s6], [sflag:s14] =	dma.local [hbm:s5], $0x2800  }
0x1d: {  	_ =	swait.ge [sflag:s20], $0x2800  }
0x1e: {  	s18 =	rddreg [dreg:$0x7]  }
0x1f: {  	p1 =	sne.s32 s18, $0x1  }
.Ltmp0:
0x20: {  	_ = 	snop;
	(pc) =	sbr.rel @!p1 .LBB2_2-.Ltmp0, $4  }
0x21: {  	_ = 	snop  }
0x22: {  	s19 =	smov.u32 s14;
	p0 =	slt.s32 s7, $0xBE0;
	s14 =	smov.u32 s7  }
0x23: {  	s16 =	smov.u32 s6;
	s14 =	simm.s32 @!p0 $0xBE0;
	[sflag:s20] =	ssyncset.done $0x0  }
0x24: {  	p0 =	por $0x0, $0x0;
	[sflag:s20] =	ssyncadd.s32 $0xFFFFD800;
	s9 =	sadd.s32 $0xFFFFFFFF, s18  }
0x25: {  	s10 =	sand.u32 $0x3FFFFFE0, s14  }
0x26: {  	[tilespmem:s21], [sflag:$0x5] =	stream.linear.gather [hbm4b:s13+s4], s10, $0x38;
	[tilespmem:$0x1FD00] =	vst v63  }
0x27: {  	_ =	swait.ge [sflag:s20], s10  }
0x28: {  	s5 =	ssub.s32 $0x0, s10;
	[sflag:s20] =	ssyncset.done $0x0  }
0x29: {  	s6 =	sadd.s32 $0xFFFFD080, s15;
	[sflag:s20] =	ssyncadd.s32 s5  }
0x2a: {  	[spmem:s6] =	stream.linear.scatter [tilespmem:s21], [sflag:$0x5], s10, $0x38;
	[tilespmem:$0x1FD00] =	vst v63  }
0x2b: {  	_ =	swait.ge [sflag:s20], s10  }
0x2c: {  	[sflag:s20] =	ssyncset.done $0x0  }
0x2d: {  	p1 =	sne.s32 s9, $0x1;
	s8 =	rddreg [dreg:$0xd];
	[sflag:s20] =	ssyncadd.s32 s5  }
0x2e: {  	[tilespmem:s21], [sflag:$0x5] =	stream.linear.gather [hbm4b:s8+s4], s10, $0x38;
	[tilespmem:$0x1FD00] =	vst v63  }
0x2f: {  	s9 =	sadd.s32 $0xFFFFFFFF, s9;
	s17 =	sadd.s32 $0x17C, s13;
	_ =	swait.ge [sflag:s20], s10  }
.Ltmp1:
0x30: {  	s6 =	sadd.s32 $0xFFFFF420, s7;
	[sflag:s20] =	ssyncset.done $0x0;
	(pc) =	sbr.rel @!p1 .LBB2_4-.Ltmp1, $4  }
0x31: {  	p0 =	slt.s32 s6, $0xBE0;
	s14 =	smov.u32 s6;
	[sflag:s20] =	ssyncadd.s32 s5  }
0x32: {  	[spmem:s15] =	stream.linear.scatter [tilespmem:s21], [sflag:$0x5], s10, $0x38;
	[tilespmem:$0x1FD00] =	vst v63  }
0x33: {  	s14 =	simm.s32 @!p0 $0xBE0;
	p0 =	por $0x1, $0x1;
	_ =	swait.ge [sflag:s20], s10  }
0x34: {  	s18 =	sadd.s32 $0x17C, s8;
	s10 =	smov.u32 s15;
	[sflag:s20] =	ssyncset.done $0x0  }
.LBB2_5:
0x35: {  	s14 =	sand.u32 $0x3FFFFFE0, s14;
	[sflag:s20] =	ssyncadd.s32 s5;
	s10 =	sadd.s32 $0xBE0, s10  }
0x36: {  	[tilespmem:s21], [sflag:$0x5] =	stream.linear.gather [hbm4b:s17+s4], s14, $0x38;
	[tilespmem:$0x1FD00] =	vst v63  }
0x37: {  	p1 =	sne.s32 s9, $0x1;
	s9 =	sadd.s32 $0xFFFFFFFF, s9;
	_ =	swait.ge [sflag:s20], s14  }
0x38: {  	s5 =	ssub.s32 $0x0, s14;
	[sflag:s20] =	ssyncset.done $0x0  }
0x39: {  	s8 =	sadd.s32 $0xFFFFD080, s10;
	[sflag:s20] =	ssyncadd.s32 s5  }
0x3a: {  	[spmem:s8] =	stream.linear.scatter [tilespmem:s21], [sflag:$0x5], s14, $0x38;
	[tilespmem:$0x1FD00] =	vst v63  }
0x3b: {  	_ =	swait.ge [sflag:s20], s14  }
0x3c: {  	[sflag:s20] =	ssyncset.done $0x0  }
0x3d: {  	[sflag:s20] =	ssyncadd.s32 s5  }
0x3e: {  	[tilespmem:s21], [sflag:$0x5] =	stream.linear.gather [hbm4b:s18+s4], s14, $0x38;
	[tilespmem:$0x1FD00] =	vst v63  }
0x3f: {  	_ =	swait.ge [sflag:s20], s14  }
.Ltmp2:
0x40: {  	s6 =	sadd.s32 $0xFFFFF420, s6;
	[sflag:s20] =	ssyncset.done $0x0;
	(pc) =	sbr.rel @p1 .LBB2_5-.Ltmp2, $4  }
0x41: {  	p2 =	slt.s32 s6, $0xBE0;
	[sflag:s20] =	ssyncadd.s32 s5  }
0x42: {  	[spmem:s10] =	stream.linear.scatter [tilespmem:s21], [sflag:$0x5], s14, $0x38;
	[tilespmem:$0x1FD00] =	vst v63  }
0x43: {  	s17 =	sadd.s32 $0x17C, s17;
	_ =	swait.ge [sflag:s20], s14;
	s14 =	smov.u32 s6  }
0x44: {  	s18 =	sadd.s32 $0x17C, s18;
	s14 =	simm.s32 @!p2 $0xBE0;
	[sflag:s20] =	ssyncset.done $0x0  }
.LBB2_6:
0x45: {  	s6 =	sand.u32 $0x3FFFFFE0, s14;
	[sflag:s20] =	ssyncadd.s32 @p0 s5  }
0x46: {  	[tilespmem:s21], [sflag:$0x5] =	stream.linear.gather [hbm4b:s17+s4], s6, $0x38;
	[tilespmem:$0x1FD00] =	vst v63  }
0x47: {  	s5 =	sadd.s32 @p0 $0xBE0, s10;
	s8 =	smov.u32 s15;
	_ =	swait.ge [sflag:s20], s6  }
0x48: {  	s9 =	ssub.s32 $0x0, s6;
	s8 =	smov.u32 @p0 s5;
	[sflag:s20] =	ssyncset.done $0x0  }
0x49: {  	s5 =	sadd.s32 $0xFFFFD080, s8;
	[sflag:s20] =	ssyncadd.s32 s9  }
0x4a: {  	[spmem:s5] =	stream.linear.scatter [tilespmem:s21], [sflag:$0x5], s6, $0x38;
	[tilespmem:$0x1FD00] =	vst v63  }
0x4b: {  	_ =	swait.ge [sflag:s20], s6  }
0x4c: {  	[sflag:s20] =	ssyncset.done $0x0  }
0x4d: {  	[sflag:s20] =	ssyncadd.s32 s9  }
0x4e: {  	[tilespmem:s21], [sflag:$0x5] =	stream.linear.gather [hbm4b:s18+s4], s6, $0x38;
	[tilespmem:$0x1FD00] =	vst v63  }
0x4f: {  	_ =	swait.ge [sflag:s20], s6  }
0x50: {  	[sflag:s20] =	ssyncset.done $0x0  }
0x51: {  	[sflag:s20] =	ssyncadd.s32 s9  }
0x52: {  	[spmem:s8] =	stream.linear.scatter [tilespmem:s21], [sflag:$0x5], s6, $0x38;
	[tilespmem:$0x1FD00] =	vst v63  }
0x53: {  	_ =	swait.ge [sflag:s20], s6  }
0x54: {  	[sflag:s20] =	ssyncset.done $0x0  }
0x55: {  	[sflag:s20] =	ssyncadd.s32 s9  }
0x56: {  	[bflag:$0x0] =	sbarrier.arrive $0xFFFF  }
0x57: {  	s8 =	rddreg [dreg:$0x8]  }
0x58: {  	[tilespmem:s4], [sflag:$0x5] =	stream.linear.gather [spmem:s8], $0x50, $0x38;
	[tilespmem:$0x1FD00] =	vst v63  }
0x59: {  	_ =	swait.ge [sflag:s20], $0x50  }
0x5a: {  	[sflag:s20] =	ssyncset.done $0x0  }
0x5b: {  	[sflag:s20] =	ssyncadd.s32 $0xFFFFFFB0  }
0x5c: {  	[tilespmem:s23], [sflag:$0x1] =	stream.indirect.gather [hbm4b:s1+s22], $0x80, s4, s22, $0xb8;
	[tilespmem:$0x1FD00] =	vst v63  }
0x5d: {  	_ = 	snop  }
0x5e: {  	[tilespmem:s24], [sflag:$0x5] =	stream.linear.gather [spmem:s15], $0x50, $0x38;
	[tilespmem:$0x1FD00] =	vst v63  }
0x5f: {  	_ =	swait.ge [sflag:s20], $0x50  }
0x60: {  	[sflag:s20] =	ssyncset.done $0x0  }
0x61: {  	s9 =	rddreg [dreg:$0x9];
	[sflag:s20] =	ssyncadd.s32 $0xFFFFFFB0  }
0x62: {  	[tilespmem:s25], [sflag:$0x5] =	stream.linear.gather [spmem:s9], $0x50, $0x38;
	[tilespmem:$0x1FD00] =	vst v63  }
0x63: {  	_ =	swait.ge [sflag:s20], $0x50  }
0x64: {  	[sflag:s20] =	ssyncset.done $0x0  }
0x65: {  	[sflag:s20] =	ssyncadd.s32 $0xFFFFFFB0  }
0x66: {  	[tilespmem:s26], [sflag:$0x2] =	stream.indirect.gather [hbm4b:s1+s22], $0x80, s25, s22, $0xb8;
	[tilespmem:$0x1FD00] =	vst v63  }
0x67: {  	s10 =	rddreg [dreg:$0xa]  }
0x68: {  	[tilespmem:s28], [sflag:$0x5] =	stream.linear.gather [spmem:s10], $0x50, $0x38;
	[tilespmem:$0x1FD00] =	vst v63  }
0x69: {  	_ =	swait.ge [sflag:s20], $0x50  }
0x6a: {  	[sflag:s20] =	ssyncset.done $0x0  }
0x6b: {  	[sflag:s20] =	ssyncadd.s32 $0xFFFFFFB0  }
0x6c: {  	_ =	swait.ge [sflag:s29], $0x2800  }
0x6d: {  	[sflag:s29] =	ssyncset.done $0x0  }
0x6e: {  	[sflag:s29] =	ssyncadd.s32 $0xFFFFD800  }
0x6f: {  	[spmem:s2] =	stream.indirect.scatter.add.f32 [tilespmem:s23], [sflag:$0x3], $0x80, s24, s22, $0xb8;
	[tilespmem:$0x1FD00] =	vst v63  }
0x70: {  	_ =	swait.ge [sflag:s30], $0x2800  }
0x71: {  	[sflag:s30] =	ssyncset.done $0x0  }
0x72: {  	[sflag:s30] =	ssyncadd.s32 $0xFFFFD800  }
0x73: {  	[spmem:s2] =	stream.indirect.scatter.add.f32 [tilespmem:s26], [sflag:$0x4], $0x80, s28, s22, $0xb8;
	[tilespmem:$0x1FD00] =	vst v63  }
0x74: {  	_ =	swait.ge [sflag:s31], $0x2800  }
0x75: {  	[sflag:s31] =	ssyncset.done $0x0  }
0x76: {  	s14 =	sadd.s32 $0xFFFFD030, s11;
	[sflag:s31] =	ssyncadd.s32 $0xFFFFD800  }
0x77: {  	[tilespmem:s4], [sflag:$0x5] =	stream.linear.gather [spmem:s14], $0x50, $0x38;
	[tilespmem:$0x1FD00] =	vst v63  }
0x78: {  	_ =	swait.ge [sflag:s20], $0x50  }
0x79: {  	[sflag:s20] =	ssyncset.done $0x0  }
0x7a: {  	[sflag:s20] =	ssyncadd.s32 $0xFFFFFFB0  }
0x7b: {  	[tilespmem:s23], [sflag:$0x1] =	stream.indirect.gather [hbm4b:s1+s22], $0x80, s4, s22, $0xb8;
	[tilespmem:$0x1FD00] =	vst v63  }
0x7c: {  	s17 =	sadd.s32 $0xFFFFFFB0, s11  }
0x7d: {  	[tilespmem:s24], [sflag:$0x5] =	stream.linear.gather [spmem:s17], $0x50, $0x38;
	[tilespmem:$0x1FD00] =	vst v63  }
0x7e: {  	_ =	swait.ge [sflag:s20], $0x50  }
0x7f: {  	[sflag:s20] =	ssyncset.done $0x0  }
0x80: {  	[sflag:s20] =	ssyncadd.s32 $0xFFFFFFB0  }
0x81: {  	_ =	swait.ge [sflag:s3], $0x2800  }
0x82: {  	[sflag:s3] =	ssyncset.done $0x0  }
0x83: {  	s18 =	sadd.s32 $0xFFFFD080, s11;
	[sflag:s3] =	ssyncadd.s32 $0xFFFFD800  }
0x84: {  	[tilespmem:s25], [sflag:$0x5] =	stream.linear.gather [spmem:s18], $0x50, $0x38;
	[tilespmem:$0x1FD00] =	vst v63  }
0x85: {  	_ =	swait.ge [sflag:s20], $0x50  }
0x86: {  	[sflag:s20] =	ssyncset.done $0x0  }
0x87: {  	p0 =	sne.s32 s12, $0x1;
	[sflag:s20] =	ssyncadd.s32 $0xFFFFFFB0  }
0x88: {  	[tilespmem:s26], [sflag:$0x2] =	stream.indirect.gather [hbm4b:s1+s22], $0x80, s25, s22, $0xb8;
	[tilespmem:$0x1FD00] =	vst v63  }
.Ltmp3:
0x89: {  	_ = 	snop;
	(pc) =	sbr.rel @!p0 .LBB2_8-.Ltmp3, $4  }
0x8a: {  	_ = 	snop  }
0x8b: {  	[tilespmem:s28], [sflag:$0x5] =	stream.linear.gather [spmem:s11], $0x50, $0x38;
	[tilespmem:$0x1FD00] =	vst v63  }
0x8c: {  	_ =	swait.ge [sflag:s20], $0x50  }
0x8d: {  	s5 =	sadd.s32 $0xFFFFFFFF, s12;
	s18 =	smov.u32 s11;
	[sflag:s20] =	ssyncset.done $0x0  }
.LBB2_7:
0x8e: {  	p0 =	sne.s32 s5, $0x1;
	[sflag:s20] =	ssyncadd.s32 $0xFFFFFFB0;
	s18 =	sadd.s32 $0xA0, s18  }
0x8f: {  	s5 =	sadd.s32 $0xFFFFFFFF, s5  }
0x90: {  	_ =	swait.ge [sflag:s29], $0x2800  }
0x91: {  	[sflag:s29] =	ssyncset.done $0x0  }
0x92: {  	[sflag:s29] =	ssyncadd.s32 $0xFFFFD800  }
0x93: {  	[spmem:s2] =	stream.indirect.scatter.add.f32 [tilespmem:s23], [sflag:$0x3], $0x80, s24, s22, $0xb8;
	[tilespmem:$0x1FD00] =	vst v63  }
0x94: {  	_ =	swait.ge [sflag:s30], $0x2800  }
0x95: {  	[sflag:s30] =	ssyncset.done $0x0  }
0x96: {  	[sflag:s30] =	ssyncadd.s32 $0xFFFFD800  }
0x97: {  	[spmem:s2] =	stream.indirect.scatter.add.f32 [tilespmem:s26], [sflag:$0x4], $0x80, s28, s22, $0xb8;
	[tilespmem:$0x1FD00] =	vst v63  }
0x98: {  	_ =	swait.ge [sflag:s31], $0x2800  }
0x99: {  	[sflag:s31] =	ssyncset.done $0x0  }
0x9a: {  	s6 =	sadd.s32 $0xFFFFD030, s18;
	[sflag:s31] =	ssyncadd.s32 $0xFFFFD800  }
0x9b: {  	[tilespmem:s4], [sflag:$0x5] =	stream.linear.gather [spmem:s6], $0x50, $0x38;
	[tilespmem:$0x1FD00] =	vst v63  }
0x9c: {  	_ =	swait.ge [sflag:s20], $0x50  }
0x9d: {  	[sflag:s20] =	ssyncset.done $0x0  }
0x9e: {  	[sflag:s20] =	ssyncadd.s32 $0xFFFFFFB0  }
0x9f: {  	[tilespmem:s23], [sflag:$0x1] =	stream.indirect.gather [hbm4b:s1+s22], $0x80, s4, s22, $0xb8;
	[tilespmem:$0x1FD00] =	vst v63  }
0xa0: {  	s6 =	sadd.s32 $0xFFFFFFB0, s18  }
0xa1: {  	[tilespmem:s24], [sflag:$0x5] =	stream.linear.gather [spmem:s6], $0x50, $0x38;
	[tilespmem:$0x1FD00] =	vst v63  }
0xa2: {  	_ =	swait.ge [sflag:s20], $0x50  }
0xa3: {  	[sflag:s20] =	ssyncset.done $0x0  }
0xa4: {  	[sflag:s20] =	ssyncadd.s32 $0xFFFFFFB0  }
0xa5: {  	_ =	swait.ge [sflag:s3], $0x2800  }
0xa6: {  	[sflag:s3] =	ssyncset.done $0x0  }
0xa7: {  	s6 =	sadd.s32 $0xFFFFD080, s18;
	[sflag:s3] =	ssyncadd.s32 $0xFFFFD800  }
0xa8: {  	[tilespmem:s25], [sflag:$0x5] =	stream.linear.gather [spmem:s6], $0x50, $0x38;
	[tilespmem:$0x1FD00] =	vst v63  }
0xa9: {  	_ =	swait.ge [sflag:s20], $0x50  }
0xaa: {  	[sflag:s20] =	ssyncset.done $0x0  }
0xab: {  	[sflag:s20] =	ssyncadd.s32 $0xFFFFFFB0  }
0xac: {  	[tilespmem:s26], [sflag:$0x2] =	stream.indirect.gather [hbm4b:s1+s22], $0x80, s25, s22, $0xb8;
	[tilespmem:$0x1FD00] =	vst v63  }
.Ltmp4:
0xad: {  	_ = 	snop;
	(pc) =	sbr.rel @p0 .LBB2_7-.Ltmp4, $4  }
0xae: {  	_ = 	snop  }
0xaf: {  	[tilespmem:s28], [sflag:$0x5] =	stream.linear.gather [spmem:s18], $0x50, $0x38;
	[tilespmem:$0x1FD00] =	vst v63  }
0xb0: {  	_ =	swait.ge [sflag:s20], $0x50  }
0xb1: {  	[sflag:s20] =	ssyncset.done $0x0  }
.LBB2_8:
0xb2: {  	[sflag:s20] =	ssyncadd.s32 $0xFFFFFFB0  }
0xb3: {  	_ =	swait.ge [sflag:s29], $0x2800  }
0xb4: {  	[sflag:s29] =	ssyncset.done $0x0  }
0xb5: {  	[sflag:s29] =	ssyncadd.s32 $0xFFFFD800  }
0xb6: {  	[spmem:s2] =	stream.indirect.scatter.add.f32 [tilespmem:s23], [sflag:$0x3], $0x80, s24, s22, $0xb8;
	[tilespmem:$0x1FD00] =	vst v63  }
0xb7: {  	_ =	swait.ge [sflag:s30], $0x2800  }
0xb8: {  	[sflag:s30] =	ssyncset.done $0x0  }
0xb9: {  	[sflag:s30] =	ssyncadd.s32 $0xFFFFD800  }
0xba: {  	[spmem:s2] =	stream.indirect.scatter.add.f32 [tilespmem:s26], [sflag:$0x4], $0x80, s28, s22, $0xb8;
	[tilespmem:$0x1FD00] =	vst v63  }
0xbb: {  	_ =	swait.ge [sflag:s31], $0x2800  }
0xbc: {  	[sflag:s31] =	ssyncset.done $0x0  }
0xbd: {  	[sflag:s31] =	ssyncadd.s32 $0xFFFFD800  }
0xbe: {  	_ =	swait.ge [sflag:s3], $0x2800  }
0xbf: {  	[sflag:s3] =	ssyncset.done $0x0  }
0xc0: {  	[sflag:s3] =	ssyncadd.s32 $0xFFFFD800  }
0xc1: {  	[bflag:$0x0] =	sbarrier.arrive $0xFFFF  }
0xc2: {  	s5 =	rddreg [dreg:$0xb]  }
0xc3: {  	[hbm:s5], [sflag:s19] =	dma.local [spmem:s16], $0x2800  }
0xc4: {  	_ =	swait.ge [sflag:s20], $0x2800  }
0xc5: {  	s14 =	smov.u32 s19;
	s0 =	sadd.s32 $0x1, s0;
	s19 =	rddreg [dreg:$0xc]  }
0xc6: {  	p0 =	sne.s32 s0, s19  }
.Ltmp5:
0xc7: {  	_ = 	snop;
	(pc) =	sbr.rel @p0 .LBB2_1-.Ltmp5, $4  }
.Ltmp6:
0xc8: {  	_ = 	snop;
	(pc) =	sbr.rel @!p0 .LBB2_9-.Ltmp6, $4  }
0xc9: {  	_ = 	snop  }
0xca: {  	[sflag:s20] =	ssyncset.done $0x0  }
0xcb: {  	s6 =	smov.u32 s16;
	[sflag:s20] =	ssyncadd.s32 $0xFFFFD800  }
0xcc: {  	_ = 	snop  }
.LBB2_2:
.Ltmp7:
0xcd: {  	(pc) =	sbr.rel .LBB2_6-.Ltmp7, $2  }
0xce: {  	_ =	sdelay $0x2  }
0xcf: {  	s10 =	smov.u32 s15;
	s17 =	smov.u32 s13;
	s18 =	rddreg [dreg:$0xd]  }
.LBB2_4:
.Ltmp8:
0xd0: {  	(pc) =	sbr.rel .LBB2_6-.Ltmp8, $2  }
0xd1: {  	_ =	sdelay $0x2  }
0xd2: {  	s10 =	smov.u32 s15  }
.LBB2_9:
0xd3: {  	_ =	sfence.sel $0x180000  }
0xd4: {  	[bflag:$0x0] =	sbarrier.arrive $0xFFFF  }
0xd5: {  	_ =	strace $0x90000047  }
0xd6: {  	s0 =	stileid.u32;
	[bflag:$0x2] =	sbarrier.arrive $0xFFFF  }
0xd7: {  	p0 =	sne.s32 s0, $0x0;
	s0 =	rddreg [dreg:$0x5]  }
0xd8: {  	s0 =	sadd.s32 @!p0 $0x100000, s0  }
0xd9: {  	[sflag:s0] =	ssyncadd.tile.s32 @!p0 $0x1;
	_ =	shalt  }
.Lfunc_end2:
_tile_overlayer_lowered:
.L_overlay_start_2:
0xda: {  	(tag) =	ssettag $0x2  }
0xdb: {  	s0 =	rddreg [dreg:$0x0];
	s2 =	stileid.u32  }
0xdc: {  	s1 =	rddreg [dreg:$0x1];
	p0 =	sne.s32 s2, $0x0  }
0xdd: {  	s3 =	rddreg [dreg:$0x2];
	[bflag:$0x3] =	sbarrier.arrive $0xFFFF;
	s2 =	simm.s32 @!p0 $0x1C05  }
0xde: {  	[timem:s3], [sflag:s2] =	dma.local @!p0 [hbm:s0], s1  }
0xdf: {  	s0 =	simm.s32 @!p0 $0x5  }
0xe0: {  	_ =	swait.ge @!p0 [sflag:s0], s1  }
0xe1: {  	s1 =	ssub.s32 @!p0 $0x0, s1;
	[sflag:s0] =	ssyncset.done @!p0 $0x0  }
0xe2: {  	[sflag:s0] =	ssyncadd.s32 @!p0 s1  }
0xe3: {  	[bflag:$0x3] =	sbarrier.arrive $0xFFFF  }
0xe4: {  	_ =	shalt  }

</sc_bundles>
